<compile_context>
chip_gen: v7x
topology: tpu7x:2x2x1
jax: 0.10.2.dev20260603
libtpu: 0.0.44.dev20260713+nightly
codegen_flags: <defaults>
</compile_context>

<pallas_src>
import functools

import jax
import jax.numpy as jnp
from jax import lax
from jax.experimental import pallas as pl
from jax.experimental.pallas import tpu as pltpu
from jax.experimental.pallas import tpu_sc as plsc

N = 10000
E = 320000
D = 128
H = 2 * D
BN_EPS = 1e-5
QSCALE = 512.0

NC = 2
NS = 16
NW = NC * NS
C = 128
NBUF = 8
CHUNKS = 80
EPW = CHUNKS * C
N_ACC = 10240
RPS = N_ACC // NS


def _agg_body(x_hbm, src_hbm, dst_hbm, z_hbm, out_hbm,
              src_v, dst_v, r0, r1, r2, r3, r4, r5, r6, r7, agg_sh,
              g0, g1, g2, g3, g4, g5, g6, g7,
              s0, s1, s2, s3, s4, s5, s6, s7):
    rows = (r0, r1, r2, r3, r4, r5, r6, r7)
    gsem = (g0, g1, g2, g3, g4, g5, g6, g7)
    ssem = (s0, s1, s2, s3, s4, s5, s6, s7)
    cid = lax.axis_index("c")
    sid = lax.axis_index("s")
    wid = cid * NS + sid

    ds = [pltpu.async_copy(z_hbm, agg_sh.at[pl.ds(sid * RPS, RPS)], gsem[0]),
          pltpu.async_copy(src_hbm.at[wid], src_v, gsem[1]),
          pltpu.async_copy(dst_hbm.at[wid], dst_v, gsem[2])]
    for d in ds:
        d.wait()
    plsc.subcore_barrier()

    for b in range(NBUF):
        pltpu.async_copy(x_hbm.at[src_v.at[b]], rows[b], gsem[b])

    @pl.loop(0, CHUNKS, step=NBUF)
    def _grp(g):
        sd = []
        for b in range(NBUF):
            i = g + b
            pltpu.make_async_copy(x_hbm.at[src_v.at[i]], rows[b],
                                  gsem[b]).wait()
            sd.append(pltpu.async_copy(rows[b], agg_sh.at[dst_v.at[i]],
                                       ssem[b], add=True))
        for b in range(NBUF):
            sd[b].wait()
            j = g + b + NBUF

            @pl.when(j < CHUNKS)
            def _(b=b, j=j):
                pltpu.async_copy(x_hbm.at[src_v.at[j]], rows[b], gsem[b])

    plsc.subcore_barrier()
    base = sid * RPS

    @pl.when(sid < NS - 1)
    def _():
        pltpu.sync_copy(agg_sh.at[pl.ds(base, RPS)],
                        out_hbm.at[pl.ds(cid * N + base, RPS)])

    @pl.when(sid == NS - 1)
    def _():
        pltpu.sync_copy(agg_sh.at[pl.ds(base, N - (NS - 1) * RPS)],
                        out_hbm.at[pl.ds(cid * N + base, N - (NS - 1) * RPS)])


_agg = functools.partial(
    pl.kernel,
    out_type=jax.ShapeDtypeStruct((NC * N, D), jnp.int16),
    mesh=plsc.VectorSubcoreMesh(core_axis_name="c", subcore_axis_name="s",
                                num_cores=NC, num_subcores=NS),
    compiler_params=pltpu.CompilerParams(use_tc_tiling_on_sc=False),
    scratch_types=[
        pltpu.VMEM((CHUNKS, C), jnp.int32),
        pltpu.VMEM((CHUNKS, C), jnp.int32),
        pltpu.VMEM((C, D), jnp.int16),
        pltpu.VMEM((C, D), jnp.int16),
        pltpu.VMEM((C, D), jnp.int16),
        pltpu.VMEM((C, D), jnp.int16),
        pltpu.VMEM((C, D), jnp.int16),
        pltpu.VMEM((C, D), jnp.int16),
        pltpu.VMEM((C, D), jnp.int16),
        pltpu.VMEM((C, D), jnp.int16),
        pltpu.VMEM_SHARED((N_ACC, D), jnp.int16),
    ] + [pltpu.SemaphoreType.DMA] * (2 * NBUF),
)(_agg_body)


R = 2000
GB = N // R


def _mlp_body(scale_ref, x_ref, a_ref, w1_ref, b1_ref, gamma_ref,
              beta_ref, w2_ref, b2_ref, out_ref, h1_buf, sums_ref):
    p = pl.program_id(0)
    j = pl.program_id(1)

    @pl.when(p == 0)
    def _():
        agg = (a_ref[0].astype(jnp.float32)
               + a_ref[1].astype(jnp.float32)) * (1.0 / QSCALE)
        h = scale_ref[0, 0] * x_ref[...] + agg
        h1 = jnp.dot(h, w1_ref[...], preferred_element_type=jnp.float32)
        h1 = h1 + b1_ref[...]
        h1_buf[pl.ds(j * R, R), :] = h1

        @pl.when(j == 0)
        def _():
            sums_ref[...] = jnp.zeros_like(sums_ref)

        sums_ref[...] += jnp.stack([jnp.sum(h1, axis=0),
                                    jnp.sum(h1 * h1, axis=0)])

    @pl.when(p == 1)
    def _():
        mean = sums_ref[0:1, :] / N
        var = sums_ref[1:2, :] / N - mean * mean
        bscale = lax.rsqrt(var + BN_EPS) * gamma_ref[...]
        h1 = h1_buf[pl.ds(j * R, R), :]
        hn = (h1 - mean) * bscale + beta_ref[...]
        hn = jnp.maximum(hn, 0.0)
        out = jnp.dot(hn, w2_ref[...], preferred_element_type=jnp.float32)
        out_ref[...] = out + b2_ref[...]


def _row_map(p, j):
    return (jnp.where(p == 0, j, 0), 0)


_mlp = pl.pallas_call(
    _mlp_body,
    grid=(2, GB),
    in_specs=[
        pl.BlockSpec(memory_space=pltpu.SMEM),
        pl.BlockSpec((R, D), _row_map),
        pl.BlockSpec((NC, R, D), lambda p, j: (0, jnp.where(p == 0, j, 0), 0)),
        pl.BlockSpec((D, H), lambda p, j: (0, 0)),
        pl.BlockSpec((1, H), lambda p, j: (0, 0)),
        pl.BlockSpec((1, H), lambda p, j: (0, 0)),
        pl.BlockSpec((1, H), lambda p, j: (0, 0)),
        pl.BlockSpec((H, D), lambda p, j: (0, 0)),
        pl.BlockSpec((1, D), lambda p, j: (0, 0)),
    ],
    out_specs=pl.BlockSpec((R, D), lambda p, j: (jnp.where(p == 0, 0, j), 0)),
    out_shape=jax.ShapeDtypeStruct((N, D), jnp.float32),
    scratch_shapes=[pltpu.VMEM((N, H), jnp.float32),
                    pltpu.VMEM((2, H), jnp.float32)],
)


def kernel(x, edge_index, eps, W1, b1, gamma, beta, W2, b2):
    src = edge_index[0].astype(jnp.int32)
    dst = edge_index[1].astype(jnp.int32)
    padw = EPW - E // NW
    pad_src = jnp.broadcast_to(jnp.arange(padw, dtype=jnp.int32)[None],
                               (NW, padw))
    pad_dst = jnp.broadcast_to(N + jnp.arange(padw, dtype=jnp.int32)[None],
                               (NW, padw))
    src3 = jnp.concatenate([src.reshape(NW, E // NW), pad_src],
                           axis=1).reshape(NW, CHUNKS, C)
    dst3 = jnp.concatenate([dst.reshape(NW, E // NW), pad_dst],
                           axis=1).reshape(NW, CHUNKS, C)
    x_q = jnp.round(x * QSCALE).astype(jnp.int16)
    zeros_blk = jnp.zeros((RPS, D), jnp.int16)

    agg_flat = _agg(x_q, src3, dst3, zeros_blk)
    agg2 = agg_flat.reshape(NC, N, D)

    scale = jnp.reshape(1.0 + eps, (1, 1)).astype(jnp.float32)
    out = _mlp(scale, x, agg2, W1, b1.reshape(1, H), gamma.reshape(1, H),
               beta.reshape(1, H), W2, b2.reshape(1, D))
    return out

# --- scband reference (transcript-rebuilt; emitter-appended) ---
"""Pipeline reference for scband-ginblock-19576460935444 (READ-ONLY COPY).

The authoritative reference and input builder live on the scoring server;
editing this copy changes nothing except your own understanding.
"""

import jax, jax.numpy as jnp
import numpy as np

N = 10000
E = 320000
D = 128
H = 2 * D
BN_EPS = 1e-5


def setup_inputs(seed: int = 0) -> dict:
    key = jax.random.key(seed)
    k_x, k_ei, k_w1, k_b1, k_g, k_bt, k_w2, k_b2 = jax.random.split(key, 8)
    x = jax.random.normal(k_x, (N, D), dtype=jnp.float32)
    edge_index = jax.random.randint(k_ei, (2, E), 0, N, dtype=jnp.int64)
    # learned params of GINConv MLP: Linear(D, 2D) -> BatchNorm1d(2D) -> ReLU -> Dropout -> Linear(2D, D)
    W1 = jax.random.normal(k_w1, (D, H), dtype=jnp.float32) * (1.0 / np.sqrt(D))
    b1 = jnp.zeros((H,), dtype=jnp.float32)
    gamma = jnp.ones((H,), dtype=jnp.float32)
    beta = jnp.zeros((H,), dtype=jnp.float32)
    W2 = jax.random.normal(k_w2, (H, D), dtype=jnp.float32) * (1.0 / np.sqrt(H))
    b2 = jnp.zeros((D,), dtype=jnp.float32)
    eps = jnp.float32(0.0)  # trainable epsilon (train_eps=True), init 0.0
    return {"x": x, "edge_index": edge_index, "eps": eps, "W1": W1, "b1": b1,
            "gamma": gamma, "beta": beta, "W2": W2, "b2": b2}


def reference(x, edge_index, eps, W1, b1, gamma, beta, W2, b2):
    # GIN aggregation: h_v = (1 + eps) * x_v + sum_{u in N(v)} x_u
    src = edge_index[0]
    dst = edge_index[1]
    msgs = jnp.take(x, src, axis=0)                       # gather: [E, D]
    agg = jax.ops.segment_sum(msgs, dst, num_segments=N)  # scatter-add: [N, D]
    h = (1.0 + eps) * x + agg
    # MLP: Linear -> BatchNorm1d (training-mode batch stats) -> ReLU -> Dropout(identity) -> Linear
    h = h @ W1 + b1
    mean = jnp.mean(h, axis=0)
    var = jnp.mean((h - mean) ** 2, axis=0)  # biased variance, as torch BN uses for normalization
    h = (h - mean) / jnp.sqrt(var + BN_EPS) * gamma + beta
    h = jax.nn.relu(h)
    out = h @ W2 + b2
    # outer Dropout is identity in deterministic/eval reference
    return out

if __name__ == "__main__":
    import jax
    _d = setup_inputs()
    print(jax.jit(kernel)(*tuple(_d.values())))

</pallas_src>

<mosaic_0001>
#map = affine_map<(d0, d1) -> (0, 0)>
#map1 = affine_map<(d0, d1) -> (0, 0, 0)>
module attributes {stable_mosaic.version = 14 : i64} {
  func.func @_agg_body(%arg0: i32, %arg1: i32, %arg2: memref<10000x128xi16, #tpu.memory_space<hbm>>, %arg3: memref<32x80x128xi32, #tpu.memory_space<hbm>>, %arg4: memref<32x80x128xi32, #tpu.memory_space<hbm>>, %arg5: memref<640x128xi16, #tpu.memory_space<hbm>>, %arg6: memref<20000x128xi16, #tpu.memory_space<hbm>>, %arg7: memref<80x128xi32, #tpu.memory_space<vmem>>, %arg8: memref<80x128xi32, #tpu.memory_space<vmem>>, %arg9: memref<128x128xi16, #tpu.memory_space<vmem>>, %arg10: memref<128x128xi16, #tpu.memory_space<vmem>>, %arg11: memref<128x128xi16, #tpu.memory_space<vmem>>, %arg12: memref<128x128xi16, #tpu.memory_space<vmem>>, %arg13: memref<128x128xi16, #tpu.memory_space<vmem>>, %arg14: memref<128x128xi16, #tpu.memory_space<vmem>>, %arg15: memref<128x128xi16, #tpu.memory_space<vmem>>, %arg16: memref<128x128xi16, #tpu.memory_space<vmem>>, %arg17: memref<10240x128xi16, #tpu.memory_space<vmem_shared>>, %arg18: memref<!tpu.dma_semaphore, #tpu.memory_space<semaphore_mem>>, %arg19: memref<!tpu.dma_semaphore, #tpu.memory_space<semaphore_mem>>, %arg20: memref<!tpu.dma_semaphore, #tpu.memory_space<semaphore_mem>>, %arg21: memref<!tpu.dma_semaphore, #tpu.memory_space<semaphore_mem>>, %arg22: memref<!tpu.dma_semaphore, #tpu.memory_space<semaphore_mem>>, %arg23: memref<!tpu.dma_semaphore, #tpu.memory_space<semaphore_mem>>, %arg24: memref<!tpu.dma_semaphore, #tpu.memory_space<semaphore_mem>>, %arg25: memref<!tpu.dma_semaphore, #tpu.memory_space<semaphore_mem>>, %arg26: memref<!tpu.dma_semaphore, #tpu.memory_space<semaphore_mem>>, %arg27: memref<!tpu.dma_semaphore, #tpu.memory_space<semaphore_mem>>, %arg28: memref<!tpu.dma_semaphore, #tpu.memory_space<semaphore_mem>>, %arg29: memref<!tpu.dma_semaphore, #tpu.memory_space<semaphore_mem>>, %arg30: memref<!tpu.dma_semaphore, #tpu.memory_space<semaphore_mem>>, %arg31: memref<!tpu.dma_semaphore, #tpu.memory_space<semaphore_mem>>, %arg32: memref<!tpu.dma_semaphore, #tpu.memory_space<semaphore_mem>>, %arg33: memref<!tpu.dma_semaphore, #tpu.memory_space<semaphore_mem>>) attributes {dimension_semantics = [#tpu.dimension_semantics<core_parallel>, #tpu.dimension_semantics<subcore_parallel>], iteration_bounds = array<i64: 2, 16>, scalar_prefetch = 0 : i64, scratch_operands = 27 : i64, tpu.core_type = #tpu.core_type<sc_vector_subcore>, window_params = [{transform_indices = #map}, {transform_indices = #map1}, {transform_indices = #map1}, {transform_indices = #map}, {transform_indices = #map}]} {
    %mul3A = arith.constant 16 : i32
    %mul3A_0 = arith.muli %arg0, %mul3A : i32
    %add3A = arith.addi %mul3A_0, %arg1 : i32
    %mul3A_1 = arith.constant 640 : i32
    %mul3A_2 = arith.muli %arg1, %mul3A_1 : i32
    %dma_start3A = arith.constant 0 : i32
    %dma_start3A_3 = tpu.memref_slice %arg17[%mul3A_2, %dma_start3A] : memref<10240x128xi16, #tpu.memory_space<vmem_shared>> -> memref<640x128xi16, #tpu.memory_space<vmem_shared>>
    tpu.enqueue_dma source(%arg5 : memref<640x128xi16, #tpu.memory_space<hbm>>) target(%dma_start3A_3 : memref<640x128xi16, #tpu.memory_space<vmem_shared>>) target_semaphore(%arg18 : memref<!tpu.dma_semaphore, #tpu.memory_space<semaphore_mem>>)
    %dma_start3A_4 = arith.constant 0 : i32
    %dma_start3A_5 = arith.constant 0 : i32
    %dma_start3A_6 = tpu.memref_slice %arg3[%add3A, %dma_start3A_4, %dma_start3A_5] : memref<32x80x128xi32, #tpu.memory_space<hbm>> -> memref<1x80x128xi32, #tpu.memory_space<hbm>>
    %dma_start3A_7 = tpu.memref_squeeze %dma_start3A_6 : memref<1x80x128xi32, #tpu.memory_space<hbm>> -> memref<80x128xi32, #tpu.memory_space<hbm>>
    %dma_start3A_8 = arith.constant 0 : i32
    %dma_start3A_9 = arith.constant 0 : i32
    %dma_start3A_10 = tpu.memref_slice %arg3[%add3A, %dma_start3A_8, %dma_start3A_9] : memref<32x80x128xi32, #tpu.memory_space<hbm>> -> memref<1x80x128xi32, #tpu.memory_space<hbm>>
    %dma_start3A_11 = tpu.memref_squeeze %dma_start3A_10 : memref<1x80x128xi32, #tpu.memory_space<hbm>> -> memref<80x128xi32, #tpu.memory_space<hbm>>
    tpu.enqueue_dma source(%dma_start3A_11 : memref<80x128xi32, #tpu.memory_space<hbm>>) target(%arg7 : memref<80x128xi32, #tpu.memory_space<vmem>>) target_semaphore(%arg19 : memref<!tpu.dma_semaphore, #tpu.memory_space<semaphore_mem>>)
    %dma_start3A_12 = arith.constant 0 : i32
    %dma_start3A_13 = arith.constant 0 : i32
    %dma_start3A_14 = tpu.memref_slice %arg4[%add3A, %dma_start3A_12, %dma_start3A_13] : memref<32x80x128xi32, #tpu.memory_space<hbm>> -> memref<1x80x128xi32, #tpu.memory_space<hbm>>
    %dma_start3A_15 = tpu.memref_squeeze %dma_start3A_14 : memref<1x80x128xi32, #tpu.memory_space<hbm>> -> memref<80x128xi32, #tpu.memory_space<hbm>>
    %dma_start3A_16 = arith.constant 0 : i32
    %dma_start3A_17 = arith.constant 0 : i32
    %dma_start3A_18 = tpu.memref_slice %arg4[%add3A, %dma_start3A_16, %dma_start3A_17] : memref<32x80x128xi32, #tpu.memory_space<hbm>> -> memref<1x80x128xi32, #tpu.memory_space<hbm>>
    %dma_start3A_19 = tpu.memref_squeeze %dma_start3A_18 : memref<1x80x128xi32, #tpu.memory_space<hbm>> -> memref<80x128xi32, #tpu.memory_space<hbm>>
    tpu.enqueue_dma source(%dma_start3A_19 : memref<80x128xi32, #tpu.memory_space<hbm>>) target(%arg8 : memref<80x128xi32, #tpu.memory_space<vmem>>) target_semaphore(%arg20 : memref<!tpu.dma_semaphore, #tpu.memory_space<semaphore_mem>>)
    %dma_wait3A = arith.constant 0 : i32
    %dma_wait3A_20 = tpu.memref_slice %arg17[%mul3A_2, %dma_wait3A] : memref<10240x128xi16, #tpu.memory_space<vmem_shared>> -> memref<640x128xi16, #tpu.memory_space<vmem_shared>>
    tpu.wait_dma2 semaphore(%arg18 : memref<!tpu.dma_semaphore, #tpu.memory_space<semaphore_mem>>) src(%arg5 : memref<640x128xi16, #tpu.memory_space<hbm>>) dst(%dma_wait3A_20 : memref<640x128xi16, #tpu.memory_space<vmem_shared>>)
    %dma_wait3A_21 = arith.constant 0 : i32
    %dma_wait3A_22 = arith.constant 0 : i32
    %dma_wait3A_23 = tpu.memref_slice %arg3[%add3A, %dma_wait3A_21, %dma_wait3A_22] : memref<32x80x128xi32, #tpu.memory_space<hbm>> -> memref<1x80x128xi32, #tpu.memory_space<hbm>>
    %dma_wait3A_24 = tpu.memref_squeeze %dma_wait3A_23 : memref<1x80x128xi32, #tpu.memory_space<hbm>> -> memref<80x128xi32, #tpu.memory_space<hbm>>
    %dma_wait3A_25 = arith.constant 0 : i32
    %dma_wait3A_26 = arith.constant 0 : i32
    %dma_wait3A_27 = tpu.memref_slice %arg3[%add3A, %dma_wait3A_25, %dma_wait3A_26] : memref<32x80x128xi32, #tpu.memory_space<hbm>> -> memref<1x80x128xi32, #tpu.memory_space<hbm>>
    %dma_wait3A_28 = tpu.memref_squeeze %dma_wait3A_27 : memref<1x80x128xi32, #tpu.memory_space<hbm>> -> memref<80x128xi32, #tpu.memory_space<hbm>>
    tpu.wait_dma2 semaphore(%arg19 : memref<!tpu.dma_semaphore, #tpu.memory_space<semaphore_mem>>) src(%dma_wait3A_28 : memref<80x128xi32, #tpu.memory_space<hbm>>) dst(%arg7 : memref<80x128xi32, #tpu.memory_space<vmem>>)
    %dma_wait3A_29 = arith.constant 0 : i32
    %dma_wait3A_30 = arith.constant 0 : i32
    %dma_wait3A_31 = tpu.memref_slice %arg4[%add3A, %dma_wait3A_29, %dma_wait3A_30] : memref<32x80x128xi32, #tpu.memory_space<hbm>> -> memref<1x80x128xi32, #tpu.memory_space<hbm>>
    %dma_wait3A_32 = tpu.memref_squeeze %dma_wait3A_31 : memref<1x80x128xi32, #tpu.memory_space<hbm>> -> memref<80x128xi32, #tpu.memory_space<hbm>>
    %dma_wait3A_33 = arith.constant 0 : i32
    %dma_wait3A_34 = arith.constant 0 : i32
    %dma_wait3A_35 = tpu.memref_slice %arg4[%add3A, %dma_wait3A_33, %dma_wait3A_34] : memref<32x80x128xi32, #tpu.memory_space<hbm>> -> memref<1x80x128xi32, #tpu.memory_space<hbm>>
    %dma_wait3A_36 = tpu.memref_squeeze %dma_wait3A_35 : memref<1x80x128xi32, #tpu.memory_space<hbm>> -> memref<80x128xi32, #tpu.memory_space<hbm>>
    tpu.wait_dma2 semaphore(%arg20 : memref<!tpu.dma_semaphore, #tpu.memory_space<semaphore_mem>>) src(%dma_wait3A_36 : memref<80x128xi32, #tpu.memory_space<hbm>>) dst(%arg8 : memref<80x128xi32, #tpu.memory_space<vmem>>)
    %barrier3A = arith.constant 0 : index
    tpu.barrier barrier_id(%barrier3A)
    %dma_start3A_37 = arith.constant 0 : i32
    %dma_start3A_38 = arith.constant 0 : i32
    %dma_start3A_39 = tpu.memref_slice %arg7[%dma_start3A_37, %dma_start3A_38] : memref<80x128xi32, #tpu.memory_space<vmem>> -> memref<1x128xi32, #tpu.memory_space<vmem>>
    %dma_start3A_40 = tpu.memref_squeeze %dma_start3A_39 : memref<1x128xi32, #tpu.memory_space<vmem>> -> memref<128xi32, #tpu.memory_space<vmem>>
    %dma_start3A_41 = arith.constant 0 : i32
    %dma_start3A_42 = arith.constant 0 : i32
    %dma_start3A_43 = tpu.memref_slice %arg2[%dma_start3A_41, %dma_start3A_42] : memref<10000x128xi16, #tpu.memory_space<hbm>> -> memref<10000x128xi16, #tpu.memory_space<hbm>>
    tpu.enqueue_indirect_dma source(%dma_start3A_43 : memref<10000x128xi16, #tpu.memory_space<hbm>>) target(%arg9 : memref<128x128xi16, #tpu.memory_space<vmem>>) offsets(%dma_start3A_40 : memref<128xi32, #tpu.memory_space<vmem>>) semaphore(%arg18 : memref<!tpu.dma_semaphore, #tpu.memory_space<semaphore_mem>>)
    %dma_start3A_44 = arith.constant 1 : i32
    %dma_start3A_45 = arith.constant 0 : i32
    %dma_start3A_46 = tpu.memref_slice %arg7[%dma_start3A_44, %dma_start3A_45] : memref<80x128xi32, #tpu.memory_space<vmem>> -> memref<1x128xi32, #tpu.memory_space<vmem>>
    %dma_start3A_47 = tpu.memref_squeeze %dma_start3A_46 : memref<1x128xi32, #tpu.memory_space<vmem>> -> memref<128xi32, #tpu.memory_space<vmem>>
    %dma_start3A_48 = arith.constant 0 : i32
    %dma_start3A_49 = arith.constant 0 : i32
    %dma_start3A_50 = tpu.memref_slice %arg2[%dma_start3A_48, %dma_start3A_49] : memref<10000x128xi16, #tpu.memory_space<hbm>> -> memref<10000x128xi16, #tpu.memory_space<hbm>>
    tpu.enqueue_indirect_dma source(%dma_start3A_50 : memref<10000x128xi16, #tpu.memory_space<hbm>>) target(%arg10 : memref<128x128xi16, #tpu.memory_space<vmem>>) offsets(%dma_start3A_47 : memref<128xi32, #tpu.memory_space<vmem>>) semaphore(%arg19 : memref<!tpu.dma_semaphore, #tpu.memory_space<semaphore_mem>>)
    %dma_start3A_51 = arith.constant 2 : i32
    %dma_start3A_52 = arith.constant 0 : i32
    %dma_start3A_53 = tpu.memref_slice %arg7[%dma_start3A_51, %dma_start3A_52] : memref<80x128xi32, #tpu.memory_space<vmem>> -> memref<1x128xi32, #tpu.memory_space<vmem>>
    %dma_start3A_54 = tpu.memref_squeeze %dma_start3A_53 : memref<1x128xi32, #tpu.memory_space<vmem>> -> memref<128xi32, #tpu.memory_space<vmem>>
    %dma_start3A_55 = arith.constant 0 : i32
    %dma_start3A_56 = arith.constant 0 : i32
    %dma_start3A_57 = tpu.memref_slice %arg2[%dma_start3A_55, %dma_start3A_56] : memref<10000x128xi16, #tpu.memory_space<hbm>> -> memref<10000x128xi16, #tpu.memory_space<hbm>>
    tpu.enqueue_indirect_dma source(%dma_start3A_57 : memref<10000x128xi16, #tpu.memory_space<hbm>>) target(%arg11 : memref<128x128xi16, #tpu.memory_space<vmem>>) offsets(%dma_start3A_54 : memref<128xi32, #tpu.memory_space<vmem>>) semaphore(%arg20 : memref<!tpu.dma_semaphore, #tpu.memory_space<semaphore_mem>>)
    %dma_start3A_58 = arith.constant 3 : i32
    %dma_start3A_59 = arith.constant 0 : i32
    %dma_start3A_60 = tpu.memref_slice %arg7[%dma_start3A_58, %dma_start3A_59] : memref<80x128xi32, #tpu.memory_space<vmem>> -> memref<1x128xi32, #tpu.memory_space<vmem>>
    %dma_start3A_61 = tpu.memref_squeeze %dma_start3A_60 : memref<1x128xi32, #tpu.memory_space<vmem>> -> memref<128xi32, #tpu.memory_space<vmem>>
    %dma_start3A_62 = arith.constant 0 : i32
    %dma_start3A_63 = arith.constant 0 : i32
    %dma_start3A_64 = tpu.memref_slice %arg2[%dma_start3A_62, %dma_start3A_63] : memref<10000x128xi16, #tpu.memory_space<hbm>> -> memref<10000x128xi16, #tpu.memory_space<hbm>>
    tpu.enqueue_indirect_dma source(%dma_start3A_64 : memref<10000x128xi16, #tpu.memory_space<hbm>>) target(%arg12 : memref<128x128xi16, #tpu.memory_space<vmem>>) offsets(%dma_start3A_61 : memref<128xi32, #tpu.memory_space<vmem>>) semaphore(%arg21 : memref<!tpu.dma_semaphore, #tpu.memory_space<semaphore_mem>>)
    %dma_start3A_65 = arith.constant 4 : i32
    %dma_start3A_66 = arith.constant 0 : i32
    %dma_start3A_67 = tpu.memref_slice %arg7[%dma_start3A_65, %dma_start3A_66] : memref<80x128xi32, #tpu.memory_space<vmem>> -> memref<1x128xi32, #tpu.memory_space<vmem>>
    %dma_start3A_68 = tpu.memref_squeeze %dma_start3A_67 : memref<1x128xi32, #tpu.memory_space<vmem>> -> memref<128xi32, #tpu.memory_space<vmem>>
    %dma_start3A_69 = arith.constant 0 : i32
    %dma_start3A_70 = arith.constant 0 : i32
    %dma_start3A_71 = tpu.memref_slice %arg2[%dma_start3A_69, %dma_start3A_70] : memref<10000x128xi16, #tpu.memory_space<hbm>> -> memref<10000x128xi16, #tpu.memory_space<hbm>>
    tpu.enqueue_indirect_dma source(%dma_start3A_71 : memref<10000x128xi16, #tpu.memory_space<hbm>>) target(%arg13 : memref<128x128xi16, #tpu.memory_space<vmem>>) offsets(%dma_start3A_68 : memref<128xi32, #tpu.memory_space<vmem>>) semaphore(%arg22 : memref<!tpu.dma_semaphore, #tpu.memory_space<semaphore_mem>>)
    %dma_start3A_72 = arith.constant 5 : i32
    %dma_start3A_73 = arith.constant 0 : i32
    %dma_start3A_74 = tpu.memref_slice %arg7[%dma_start3A_72, %dma_start3A_73] : memref<80x128xi32, #tpu.memory_space<vmem>> -> memref<1x128xi32, #tpu.memory_space<vmem>>
    %dma_start3A_75 = tpu.memref_squeeze %dma_start3A_74 : memref<1x128xi32, #tpu.memory_space<vmem>> -> memref<128xi32, #tpu.memory_space<vmem>>
    %dma_start3A_76 = arith.constant 0 : i32
    %dma_start3A_77 = arith.constant 0 : i32
    %dma_start3A_78 = tpu.memref_slice %arg2[%dma_start3A_76, %dma_start3A_77] : memref<10000x128xi16, #tpu.memory_space<hbm>> -> memref<10000x128xi16, #tpu.memory_space<hbm>>
    tpu.enqueue_indirect_dma source(%dma_start3A_78 : memref<10000x128xi16, #tpu.memory_space<hbm>>) target(%arg14 : memref<128x128xi16, #tpu.memory_space<vmem>>) offsets(%dma_start3A_75 : memref<128xi32, #tpu.memory_space<vmem>>) semaphore(%arg23 : memref<!tpu.dma_semaphore, #tpu.memory_space<semaphore_mem>>)
    %dma_start3A_79 = arith.constant 6 : i32
    %dma_start3A_80 = arith.constant 0 : i32
    %dma_start3A_81 = tpu.memref_slice %arg7[%dma_start3A_79, %dma_start3A_80] : memref<80x128xi32, #tpu.memory_space<vmem>> -> memref<1x128xi32, #tpu.memory_space<vmem>>
    %dma_start3A_82 = tpu.memref_squeeze %dma_start3A_81 : memref<1x128xi32, #tpu.memory_space<vmem>> -> memref<128xi32, #tpu.memory_space<vmem>>
    %dma_start3A_83 = arith.constant 0 : i32
    %dma_start3A_84 = arith.constant 0 : i32
    %dma_start3A_85 = tpu.memref_slice %arg2[%dma_start3A_83, %dma_start3A_84] : memref<10000x128xi16, #tpu.memory_space<hbm>> -> memref<10000x128xi16, #tpu.memory_space<hbm>>
    tpu.enqueue_indirect_dma source(%dma_start3A_85 : memref<10000x128xi16, #tpu.memory_space<hbm>>) target(%arg15 : memref<128x128xi16, #tpu.memory_space<vmem>>) offsets(%dma_start3A_82 : memref<128xi32, #tpu.memory_space<vmem>>) semaphore(%arg24 : memref<!tpu.dma_semaphore, #tpu.memory_space<semaphore_mem>>)
    %dma_start3A_86 = arith.constant 7 : i32
    %dma_start3A_87 = arith.constant 0 : i32
    %dma_start3A_88 = tpu.memref_slice %arg7[%dma_start3A_86, %dma_start3A_87] : memref<80x128xi32, #tpu.memory_space<vmem>> -> memref<1x128xi32, #tpu.memory_space<vmem>>
    %dma_start3A_89 = tpu.memref_squeeze %dma_start3A_88 : memref<1x128xi32, #tpu.memory_space<vmem>> -> memref<128xi32, #tpu.memory_space<vmem>>
    %dma_start3A_90 = arith.constant 0 : i32
    %dma_start3A_91 = arith.constant 0 : i32
    %dma_start3A_92 = tpu.memref_slice %arg2[%dma_start3A_90, %dma_start3A_91] : memref<10000x128xi16, #tpu.memory_space<hbm>> -> memref<10000x128xi16, #tpu.memory_space<hbm>>
    tpu.enqueue_indirect_dma source(%dma_start3A_92 : memref<10000x128xi16, #tpu.memory_space<hbm>>) target(%arg16 : memref<128x128xi16, #tpu.memory_space<vmem>>) offsets(%dma_start3A_89 : memref<128xi32, #tpu.memory_space<vmem>>) semaphore(%arg25 : memref<!tpu.dma_semaphore, #tpu.memory_space<semaphore_mem>>)
    %scan3A = arith.constant 0 : i32
    %scan3A_93 = arith.constant 10 : i32
    %scan3A_94 = arith.addi %scan3A, %scan3A_93 : i32
    %scan3A_95 = arith.constant 1 : i32
    scf.for %scan3A_106 = %scan3A to %scan3A_94 step %scan3A_95  : i32 {
      %mul3A_107 = arith.constant 8 : i32
      %mul3A_108 = arith.muli %scan3A_106, %mul3A_107 : i32
      %add3A_109 = arith.constant 0 : i32
      %add3A_110 = arith.addi %add3A_109, %mul3A_108 : i32
      %add3A_111 = arith.constant 0 : i32
      %add3A_112 = arith.addi %add3A_110, %add3A_111 : i32
      %dma_wait3A_113 = arith.constant 0 : i32
      %dma_wait3A_114 = tpu.memref_slice %arg7[%add3A_112, %dma_wait3A_113] : memref<80x128xi32, #tpu.memory_space<vmem>> -> memref<1x128xi32, #tpu.memory_space<vmem>>
      %dma_wait3A_115 = tpu.memref_squeeze %dma_wait3A_114 : memref<1x128xi32, #tpu.memory_space<vmem>> -> memref<128xi32, #tpu.memory_space<vmem>>
      %dma_wait3A_116 = arith.constant 0 : i32
      %dma_wait3A_117 = arith.constant 0 : i32
      %dma_wait3A_118 = tpu.memref_slice %arg2[%dma_wait3A_116, %dma_wait3A_117] : memref<10000x128xi16, #tpu.memory_space<hbm>> -> memref<10000x128xi16, #tpu.memory_space<hbm>>
      tpu.wait_indirect_dma semaphore(%arg18 : memref<!tpu.dma_semaphore, #tpu.memory_space<semaphore_mem>>) src(%dma_wait3A_118 : memref<10000x128xi16, #tpu.memory_space<hbm>>) dst(%arg9 : memref<128x128xi16, #tpu.memory_space<vmem>>)
      %dma_start3A_119 = arith.constant 0 : i32
      %dma_start3A_120 = tpu.memref_slice %arg8[%add3A_112, %dma_start3A_119] : memref<80x128xi32, #tpu.memory_space<vmem>> -> memref<1x128xi32, #tpu.memory_space<vmem>>
      %dma_start3A_121 = tpu.memref_squeeze %dma_start3A_120 : memref<1x128xi32, #tpu.memory_space<vmem>> -> memref<128xi32, #tpu.memory_space<vmem>>
      %dma_start3A_122 = arith.constant 0 : i32
      %dma_start3A_123 = arith.constant 0 : i32
      %dma_start3A_124 = tpu.memref_slice %arg17[%dma_start3A_122, %dma_start3A_123] : memref<10240x128xi16, #tpu.memory_space<vmem_shared>> -> memref<10240x128xi16, #tpu.memory_space<vmem_shared>>
      tpu.enqueue_indirect_dma source(%arg9 : memref<128x128xi16, #tpu.memory_space<vmem>>) target(%dma_start3A_124 : memref<10240x128xi16, #tpu.memory_space<vmem_shared>>) offsets(%dma_start3A_121 : memref<128xi32, #tpu.memory_space<vmem>>) semaphore(%arg26 : memref<!tpu.dma_semaphore, #tpu.memory_space<semaphore_mem>>) {add = true}
      %add3A_125 = arith.constant 1 : i32
      %add3A_126 = arith.addi %add3A_110, %add3A_125 : i32
      %dma_wait3A_127 = arith.constant 0 : i32
      %dma_wait3A_128 = tpu.memref_slice %arg7[%add3A_126, %dma_wait3A_127] : memref<80x128xi32, #tpu.memory_space<vmem>> -> memref<1x128xi32, #tpu.memory_space<vmem>>
      %dma_wait3A_129 = tpu.memref_squeeze %dma_wait3A_128 : memref<1x128xi32, #tpu.memory_space<vmem>> -> memref<128xi32, #tpu.memory_space<vmem>>
      %dma_wait3A_130 = arith.constant 0 : i32
      %dma_wait3A_131 = arith.constant 0 : i32
      %dma_wait3A_132 = tpu.memref_slice %arg2[%dma_wait3A_130, %dma_wait3A_131] : memref<10000x128xi16, #tpu.memory_space<hbm>> -> memref<10000x128xi16, #tpu.memory_space<hbm>>
      tpu.wait_indirect_dma semaphore(%arg19 : memref<!tpu.dma_semaphore, #tpu.memory_space<semaphore_mem>>) src(%dma_wait3A_132 : memref<10000x128xi16, #tpu.memory_space<hbm>>) dst(%arg10 : memref<128x128xi16, #tpu.memory_space<vmem>>)
      %dma_start3A_133 = arith.constant 0 : i32
      %dma_start3A_134 = tpu.memref_slice %arg8[%add3A_126, %dma_start3A_133] : memref<80x128xi32, #tpu.memory_space<vmem>> -> memref<1x128xi32, #tpu.memory_space<vmem>>
      %dma_start3A_135 = tpu.memref_squeeze %dma_start3A_134 : memref<1x128xi32, #tpu.memory_space<vmem>> -> memref<128xi32, #tpu.memory_space<vmem>>
      %dma_start3A_136 = arith.constant 0 : i32
      %dma_start3A_137 = arith.constant 0 : i32
      %dma_start3A_138 = tpu.memref_slice %arg17[%dma_start3A_136, %dma_start3A_137] : memref<10240x128xi16, #tpu.memory_space<vmem_shared>> -> memref<10240x128xi16, #tpu.memory_space<vmem_shared>>
      tpu.enqueue_indirect_dma source(%arg10 : memref<128x128xi16, #tpu.memory_space<vmem>>) target(%dma_start3A_138 : memref<10240x128xi16, #tpu.memory_space<vmem_shared>>) offsets(%dma_start3A_135 : memref<128xi32, #tpu.memory_space<vmem>>) semaphore(%arg27 : memref<!tpu.dma_semaphore, #tpu.memory_space<semaphore_mem>>) {add = true}
      %add3A_139 = arith.constant 2 : i32
      %add3A_140 = arith.addi %add3A_110, %add3A_139 : i32
      %dma_wait3A_141 = arith.constant 0 : i32
      %dma_wait3A_142 = tpu.memref_slice %arg7[%add3A_140, %dma_wait3A_141] : memref<80x128xi32, #tpu.memory_space<vmem>> -> memref<1x128xi32, #tpu.memory_space<vmem>>
      %dma_wait3A_143 = tpu.memref_squeeze %dma_wait3A_142 : memref<1x128xi32, #tpu.memory_space<vmem>> -> memref<128xi32, #tpu.memory_space<vmem>>
      %dma_wait3A_144 = arith.constant 0 : i32
      %dma_wait3A_145 = arith.constant 0 : i32
      %dma_wait3A_146 = tpu.memref_slice %arg2[%dma_wait3A_144, %dma_wait3A_145] : memref<10000x128xi16, #tpu.memory_space<hbm>> -> memref<10000x128xi16, #tpu.memory_space<hbm>>
      tpu.wait_indirect_dma semaphore(%arg20 : memref<!tpu.dma_semaphore, #tpu.memory_space<semaphore_mem>>) src(%dma_wait3A_146 : memref<10000x128xi16, #tpu.memory_space<hbm>>) dst(%arg11 : memref<128x128xi16, #tpu.memory_space<vmem>>)
      %dma_start3A_147 = arith.constant 0 : i32
      %dma_start3A_148 = tpu.memref_slice %arg8[%add3A_140, %dma_start3A_147] : memref<80x128xi32, #tpu.memory_space<vmem>> -> memref<1x128xi32, #tpu.memory_space<vmem>>
      %dma_start3A_149 = tpu.memref_squeeze %dma_start3A_148 : memref<1x128xi32, #tpu.memory_space<vmem>> -> memref<128xi32, #tpu.memory_space<vmem>>
      %dma_start3A_150 = arith.constant 0 : i32
      %dma_start3A_151 = arith.constant 0 : i32
      %dma_start3A_152 = tpu.memref_slice %arg17[%dma_start3A_150, %dma_start3A_151] : memref<10240x128xi16, #tpu.memory_space<vmem_shared>> -> memref<10240x128xi16, #tpu.memory_space<vmem_shared>>
      tpu.enqueue_indirect_dma source(%arg11 : memref<128x128xi16, #tpu.memory_space<vmem>>) target(%dma_start3A_152 : memref<10240x128xi16, #tpu.memory_space<vmem_shared>>) offsets(%dma_start3A_149 : memref<128xi32, #tpu.memory_space<vmem>>) semaphore(%arg28 : memref<!tpu.dma_semaphore, #tpu.memory_space<semaphore_mem>>) {add = true}
      %add3A_153 = arith.constant 3 : i32
      %add3A_154 = arith.addi %add3A_110, %add3A_153 : i32
      %dma_wait3A_155 = arith.constant 0 : i32
      %dma_wait3A_156 = tpu.memref_slice %arg7[%add3A_154, %dma_wait3A_155] : memref<80x128xi32, #tpu.memory_space<vmem>> -> memref<1x128xi32, #tpu.memory_space<vmem>>
      %dma_wait3A_157 = tpu.memref_squeeze %dma_wait3A_156 : memref<1x128xi32, #tpu.memory_space<vmem>> -> memref<128xi32, #tpu.memory_space<vmem>>
      %dma_wait3A_158 = arith.constant 0 : i32
      %dma_wait3A_159 = arith.constant 0 : i32
      %dma_wait3A_160 = tpu.memref_slice %arg2[%dma_wait3A_158, %dma_wait3A_159] : memref<10000x128xi16, #tpu.memory_space<hbm>> -> memref<10000x128xi16, #tpu.memory_space<hbm>>
      tpu.wait_indirect_dma semaphore(%arg21 : memref<!tpu.dma_semaphore, #tpu.memory_space<semaphore_mem>>) src(%dma_wait3A_160 : memref<10000x128xi16, #tpu.memory_space<hbm>>) dst(%arg12 : memref<128x128xi16, #tpu.memory_space<vmem>>)
      %dma_start3A_161 = arith.constant 0 : i32
      %dma_start3A_162 = tpu.memref_slice %arg8[%add3A_154, %dma_start3A_161] : memref<80x128xi32, #tpu.memory_space<vmem>> -> memref<1x128xi32, #tpu.memory_space<vmem>>
      %dma_start3A_163 = tpu.memref_squeeze %dma_start3A_162 : memref<1x128xi32, #tpu.memory_space<vmem>> -> memref<128xi32, #tpu.memory_space<vmem>>
      %dma_start3A_164 = arith.constant 0 : i32
      %dma_start3A_165 = arith.constant 0 : i32
      %dma_start3A_166 = tpu.memref_slice %arg17[%dma_start3A_164, %dma_start3A_165] : memref<10240x128xi16, #tpu.memory_space<vmem_shared>> -> memref<10240x128xi16, #tpu.memory_space<vmem_shared>>
      tpu.enqueue_indirect_dma source(%arg12 : memref<128x128xi16, #tpu.memory_space<vmem>>) target(%dma_start3A_166 : memref<10240x128xi16, #tpu.memory_space<vmem_shared>>) offsets(%dma_start3A_163 : memref<128xi32, #tpu.memory_space<vmem>>) semaphore(%arg29 : memref<!tpu.dma_semaphore, #tpu.memory_space<semaphore_mem>>) {add = true}
      %add3A_167 = arith.constant 4 : i32
      %add3A_168 = arith.addi %add3A_110, %add3A_167 : i32
      %dma_wait3A_169 = arith.constant 0 : i32
      %dma_wait3A_170 = tpu.memref_slice %arg7[%add3A_168, %dma_wait3A_169] : memref<80x128xi32, #tpu.memory_space<vmem>> -> memref<1x128xi32, #tpu.memory_space<vmem>>
      %dma_wait3A_171 = tpu.memref_squeeze %dma_wait3A_170 : memref<1x128xi32, #tpu.memory_space<vmem>> -> memref<128xi32, #tpu.memory_space<vmem>>
      %dma_wait3A_172 = arith.constant 0 : i32
      %dma_wait3A_173 = arith.constant 0 : i32
      %dma_wait3A_174 = tpu.memref_slice %arg2[%dma_wait3A_172, %dma_wait3A_173] : memref<10000x128xi16, #tpu.memory_space<hbm>> -> memref<10000x128xi16, #tpu.memory_space<hbm>>
      tpu.wait_indirect_dma semaphore(%arg22 : memref<!tpu.dma_semaphore, #tpu.memory_space<semaphore_mem>>) src(%dma_wait3A_174 : memref<10000x128xi16, #tpu.memory_space<hbm>>) dst(%arg13 : memref<128x128xi16, #tpu.memory_space<vmem>>)
      %dma_start3A_175 = arith.constant 0 : i32
      %dma_start3A_176 = tpu.memref_slice %arg8[%add3A_168, %dma_start3A_175] : memref<80x128xi32, #tpu.memory_space<vmem>> -> memref<1x128xi32, #tpu.memory_space<vmem>>
      %dma_start3A_177 = tpu.memref_squeeze %dma_start3A_176 : memref<1x128xi32, #tpu.memory_space<vmem>> -> memref<128xi32, #tpu.memory_space<vmem>>
      %dma_start3A_178 = arith.constant 0 : i32
      %dma_start3A_179 = arith.constant 0 : i32
      %dma_start3A_180 = tpu.memref_slice %arg17[%dma_start3A_178, %dma_start3A_179] : memref<10240x128xi16, #tpu.memory_space<vmem_shared>> -> memref<10240x128xi16, #tpu.memory_space<vmem_shared>>
      tpu.enqueue_indirect_dma source(%arg13 : memref<128x128xi16, #tpu.memory_space<vmem>>) target(%dma_start3A_180 : memref<10240x128xi16, #tpu.memory_space<vmem_shared>>) offsets(%dma_start3A_177 : memref<128xi32, #tpu.memory_space<vmem>>) semaphore(%arg30 : memref<!tpu.dma_semaphore, #tpu.memory_space<semaphore_mem>>) {add = true}
      %add3A_181 = arith.constant 5 : i32
      %add3A_182 = arith.addi %add3A_110, %add3A_181 : i32
      %dma_wait3A_183 = arith.constant 0 : i32
      %dma_wait3A_184 = tpu.memref_slice %arg7[%add3A_182, %dma_wait3A_183] : memref<80x128xi32, #tpu.memory_space<vmem>> -> memref<1x128xi32, #tpu.memory_space<vmem>>
      %dma_wait3A_185 = tpu.memref_squeeze %dma_wait3A_184 : memref<1x128xi32, #tpu.memory_space<vmem>> -> memref<128xi32, #tpu.memory_space<vmem>>
      %dma_wait3A_186 = arith.constant 0 : i32
      %dma_wait3A_187 = arith.constant 0 : i32
      %dma_wait3A_188 = tpu.memref_slice %arg2[%dma_wait3A_186, %dma_wait3A_187] : memref<10000x128xi16, #tpu.memory_space<hbm>> -> memref<10000x128xi16, #tpu.memory_space<hbm>>
      tpu.wait_indirect_dma semaphore(%arg23 : memref<!tpu.dma_semaphore, #tpu.memory_space<semaphore_mem>>) src(%dma_wait3A_188 : memref<10000x128xi16, #tpu.memory_space<hbm>>) dst(%arg14 : memref<128x128xi16, #tpu.memory_space<vmem>>)
      %dma_start3A_189 = arith.constant 0 : i32
      %dma_start3A_190 = tpu.memref_slice %arg8[%add3A_182, %dma_start3A_189] : memref<80x128xi32, #tpu.memory_space<vmem>> -> memref<1x128xi32, #tpu.memory_space<vmem>>
      %dma_start3A_191 = tpu.memref_squeeze %dma_start3A_190 : memref<1x128xi32, #tpu.memory_space<vmem>> -> memref<128xi32, #tpu.memory_space<vmem>>
      %dma_start3A_192 = arith.constant 0 : i32
      %dma_start3A_193 = arith.constant 0 : i32
      %dma_start3A_194 = tpu.memref_slice %arg17[%dma_start3A_192, %dma_start3A_193] : memref<10240x128xi16, #tpu.memory_space<vmem_shared>> -> memref<10240x128xi16, #tpu.memory_space<vmem_shared>>
      tpu.enqueue_indirect_dma source(%arg14 : memref<128x128xi16, #tpu.memory_space<vmem>>) target(%dma_start3A_194 : memref<10240x128xi16, #tpu.memory_space<vmem_shared>>) offsets(%dma_start3A_191 : memref<128xi32, #tpu.memory_space<vmem>>) semaphore(%arg31 : memref<!tpu.dma_semaphore, #tpu.memory_space<semaphore_mem>>) {add = true}
      %add3A_195 = arith.constant 6 : i32
      %add3A_196 = arith.addi %add3A_110, %add3A_195 : i32
      %dma_wait3A_197 = arith.constant 0 : i32
      %dma_wait3A_198 = tpu.memref_slice %arg7[%add3A_196, %dma_wait3A_197] : memref<80x128xi32, #tpu.memory_space<vmem>> -> memref<1x128xi32, #tpu.memory_space<vmem>>
      %dma_wait3A_199 = tpu.memref_squeeze %dma_wait3A_198 : memref<1x128xi32, #tpu.memory_space<vmem>> -> memref<128xi32, #tpu.memory_space<vmem>>
      %dma_wait3A_200 = arith.constant 0 : i32
      %dma_wait3A_201 = arith.constant 0 : i32
      %dma_wait3A_202 = tpu.memref_slice %arg2[%dma_wait3A_200, %dma_wait3A_201] : memref<10000x128xi16, #tpu.memory_space<hbm>> -> memref<10000x128xi16, #tpu.memory_space<hbm>>
      tpu.wait_indirect_dma semaphore(%arg24 : memref<!tpu.dma_semaphore, #tpu.memory_space<semaphore_mem>>) src(%dma_wait3A_202 : memref<10000x128xi16, #tpu.memory_space<hbm>>) dst(%arg15 : memref<128x128xi16, #tpu.memory_space<vmem>>)
      %dma_start3A_203 = arith.constant 0 : i32
      %dma_start3A_204 = tpu.memref_slice %arg8[%add3A_196, %dma_start3A_203] : memref<80x128xi32, #tpu.memory_space<vmem>> -> memref<1x128xi32, #tpu.memory_space<vmem>>
      %dma_start3A_205 = tpu.memref_squeeze %dma_start3A_204 : memref<1x128xi32, #tpu.memory_space<vmem>> -> memref<128xi32, #tpu.memory_space<vmem>>
      %dma_start3A_206 = arith.constant 0 : i32
      %dma_start3A_207 = arith.constant 0 : i32
      %dma_start3A_208 = tpu.memref_slice %arg17[%dma_start3A_206, %dma_start3A_207] : memref<10240x128xi16, #tpu.memory_space<vmem_shared>> -> memref<10240x128xi16, #tpu.memory_space<vmem_shared>>
      tpu.enqueue_indirect_dma source(%arg15 : memref<128x128xi16, #tpu.memory_space<vmem>>) target(%dma_start3A_208 : memref<10240x128xi16, #tpu.memory_space<vmem_shared>>) offsets(%dma_start3A_205 : memref<128xi32, #tpu.memory_space<vmem>>) semaphore(%arg32 : memref<!tpu.dma_semaphore, #tpu.memory_space<semaphore_mem>>) {add = true}
      %add3A_209 = arith.constant 7 : i32
      %add3A_210 = arith.addi %add3A_110, %add3A_209 : i32
      %dma_wait3A_211 = arith.constant 0 : i32
      %dma_wait3A_212 = tpu.memref_slice %arg7[%add3A_210, %dma_wait3A_211] : memref<80x128xi32, #tpu.memory_space<vmem>> -> memref<1x128xi32, #tpu.memory_space<vmem>>
      %dma_wait3A_213 = tpu.memref_squeeze %dma_wait3A_212 : memref<1x128xi32, #tpu.memory_space<vmem>> -> memref<128xi32, #tpu.memory_space<vmem>>
      %dma_wait3A_214 = arith.constant 0 : i32
      %dma_wait3A_215 = arith.constant 0 : i32
      %dma_wait3A_216 = tpu.memref_slice %arg2[%dma_wait3A_214, %dma_wait3A_215] : memref<10000x128xi16, #tpu.memory_space<hbm>> -> memref<10000x128xi16, #tpu.memory_space<hbm>>
      tpu.wait_indirect_dma semaphore(%arg25 : memref<!tpu.dma_semaphore, #tpu.memory_space<semaphore_mem>>) src(%dma_wait3A_216 : memref<10000x128xi16, #tpu.memory_space<hbm>>) dst(%arg16 : memref<128x128xi16, #tpu.memory_space<vmem>>)
      %dma_start3A_217 = arith.constant 0 : i32
      %dma_start3A_218 = tpu.memref_slice %arg8[%add3A_210, %dma_start3A_217] : memref<80x128xi32, #tpu.memory_space<vmem>> -> memref<1x128xi32, #tpu.memory_space<vmem>>
      %dma_start3A_219 = tpu.memref_squeeze %dma_start3A_218 : memref<1x128xi32, #tpu.memory_space<vmem>> -> memref<128xi32, #tpu.memory_space<vmem>>
      %dma_start3A_220 = arith.constant 0 : i32
      %dma_start3A_221 = arith.constant 0 : i32
      %dma_start3A_222 = tpu.memref_slice %arg17[%dma_start3A_220, %dma_start3A_221] : memref<10240x128xi16, #tpu.memory_space<vmem_shared>> -> memref<10240x128xi16, #tpu.memory_space<vmem_shared>>
      tpu.enqueue_indirect_dma source(%arg16 : memref<128x128xi16, #tpu.memory_space<vmem>>) target(%dma_start3A_222 : memref<10240x128xi16, #tpu.memory_space<vmem_shared>>) offsets(%dma_start3A_219 : memref<128xi32, #tpu.memory_space<vmem>>) semaphore(%arg33 : memref<!tpu.dma_semaphore, #tpu.memory_space<semaphore_mem>>) {add = true}
      %dma_wait3A_223 = arith.constant 0 : i32
      %dma_wait3A_224 = tpu.memref_slice %arg8[%add3A_112, %dma_wait3A_223] : memref<80x128xi32, #tpu.memory_space<vmem>> -> memref<1x128xi32, #tpu.memory_space<vmem>>
      %dma_wait3A_225 = tpu.memref_squeeze %dma_wait3A_224 : memref<1x128xi32, #tpu.memory_space<vmem>> -> memref<128xi32, #tpu.memory_space<vmem>>
      %dma_wait3A_226 = arith.constant 0 : i32
      %dma_wait3A_227 = arith.constant 0 : i32
      %dma_wait3A_228 = tpu.memref_slice %arg17[%dma_wait3A_226, %dma_wait3A_227] : memref<10240x128xi16, #tpu.memory_space<vmem_shared>> -> memref<10240x128xi16, #tpu.memory_space<vmem_shared>>
      tpu.wait_indirect_dma semaphore(%arg26 : memref<!tpu.dma_semaphore, #tpu.memory_space<semaphore_mem>>) src(%arg9 : memref<128x128xi16, #tpu.memory_space<vmem>>) dst(%dma_wait3A_228 : memref<10240x128xi16, #tpu.memory_space<vmem_shared>>)
      %add3A_229 = arith.constant 0 : i32
      %add3A_230 = arith.addi %add3A_110, %add3A_229 : i32
      %add3A_231 = arith.constant 8 : i32
      %add3A_232 = arith.addi %add3A_230, %add3A_231 : i32
      %lt3A_233 = arith.constant 80 : i32
      %lt3A_234 = arith.cmpi slt, %add3A_232, %lt3A_233 : i32
      %convert_element_type3A_235 = arith.extui %lt3A_234 : i1 to i32
      %cond3A_236 = arith.constant 0 : i32
      %cond3A_237 = arith.cmpi ne, %convert_element_type3A_235, %cond3A_236 : i32
      scf.if %cond3A_237 {
        %dma_start3A_343 = arith.constant 0 : i32
        %dma_start3A_344 = tpu.memref_slice %arg7[%add3A_232, %dma_start3A_343] : memref<80x128xi32, #tpu.memory_space<vmem>> -> memref<1x128xi32, #tpu.memory_space<vmem>>
        %dma_start3A_345 = tpu.memref_squeeze %dma_start3A_344 : memref<1x128xi32, #tpu.memory_space<vmem>> -> memref<128xi32, #tpu.memory_space<vmem>>
        %dma_start3A_346 = arith.constant 0 : i32
        %dma_start3A_347 = arith.constant 0 : i32
        %dma_start3A_348 = tpu.memref_slice %arg2[%dma_start3A_346, %dma_start3A_347] : memref<10000x128xi16, #tpu.memory_space<hbm>> -> memref<10000x128xi16, #tpu.memory_space<hbm>>
        tpu.enqueue_indirect_dma source(%dma_start3A_348 : memref<10000x128xi16, #tpu.memory_space<hbm>>) target(%arg9 : memref<128x128xi16, #tpu.memory_space<vmem>>) offsets(%dma_start3A_345 : memref<128xi32, #tpu.memory_space<vmem>>) semaphore(%arg18 : memref<!tpu.dma_semaphore, #tpu.memory_space<semaphore_mem>>)
      } else {
      }
      %dma_wait3A_238 = arith.constant 0 : i32
      %dma_wait3A_239 = tpu.memref_slice %arg8[%add3A_126, %dma_wait3A_238] : memref<80x128xi32, #tpu.memory_space<vmem>> -> memref<1x128xi32, #tpu.memory_space<vmem>>
      %dma_wait3A_240 = tpu.memref_squeeze %dma_wait3A_239 : memref<1x128xi32, #tpu.memory_space<vmem>> -> memref<128xi32, #tpu.memory_space<vmem>>
      %dma_wait3A_241 = arith.constant 0 : i32
      %dma_wait3A_242 = arith.constant 0 : i32
      %dma_wait3A_243 = tpu.memref_slice %arg17[%dma_wait3A_241, %dma_wait3A_242] : memref<10240x128xi16, #tpu.memory_space<vmem_shared>> -> memref<10240x128xi16, #tpu.memory_space<vmem_shared>>
      tpu.wait_indirect_dma semaphore(%arg27 : memref<!tpu.dma_semaphore, #tpu.memory_space<semaphore_mem>>) src(%arg10 : memref<128x128xi16, #tpu.memory_space<vmem>>) dst(%dma_wait3A_243 : memref<10240x128xi16, #tpu.memory_space<vmem_shared>>)
      %add3A_244 = arith.constant 1 : i32
      %add3A_245 = arith.addi %add3A_110, %add3A_244 : i32
      %add3A_246 = arith.constant 8 : i32
      %add3A_247 = arith.addi %add3A_245, %add3A_246 : i32
      %lt3A_248 = arith.constant 80 : i32
      %lt3A_249 = arith.cmpi slt, %add3A_247, %lt3A_248 : i32
      %convert_element_type3A_250 = arith.extui %lt3A_249 : i1 to i32
      %cond3A_251 = arith.constant 0 : i32
      %cond3A_252 = arith.cmpi ne, %convert_element_type3A_250, %cond3A_251 : i32
      scf.if %cond3A_252 {
        %dma_start3A_343 = arith.constant 0 : i32
        %dma_start3A_344 = tpu.memref_slice %arg7[%add3A_247, %dma_start3A_343] : memref<80x128xi32, #tpu.memory_space<vmem>> -> memref<1x128xi32, #tpu.memory_space<vmem>>
        %dma_start3A_345 = tpu.memref_squeeze %dma_start3A_344 : memref<1x128xi32, #tpu.memory_space<vmem>> -> memref<128xi32, #tpu.memory_space<vmem>>
        %dma_start3A_346 = arith.constant 0 : i32
        %dma_start3A_347 = arith.constant 0 : i32
        %dma_start3A_348 = tpu.memref_slice %arg2[%dma_start3A_346, %dma_start3A_347] : memref<10000x128xi16, #tpu.memory_space<hbm>> -> memref<10000x128xi16, #tpu.memory_space<hbm>>
        tpu.enqueue_indirect_dma source(%dma_start3A_348 : memref<10000x128xi16, #tpu.memory_space<hbm>>) target(%arg10 : memref<128x128xi16, #tpu.memory_space<vmem>>) offsets(%dma_start3A_345 : memref<128xi32, #tpu.memory_space<vmem>>) semaphore(%arg19 : memref<!tpu.dma_semaphore, #tpu.memory_space<semaphore_mem>>)
      } else {
      }
      %dma_wait3A_253 = arith.constant 0 : i32
      %dma_wait3A_254 = tpu.memref_slice %arg8[%add3A_140, %dma_wait3A_253] : memref<80x128xi32, #tpu.memory_space<vmem>> -> memref<1x128xi32, #tpu.memory_space<vmem>>
      %dma_wait3A_255 = tpu.memref_squeeze %dma_wait3A_254 : memref<1x128xi32, #tpu.memory_space<vmem>> -> memref<128xi32, #tpu.memory_space<vmem>>
      %dma_wait3A_256 = arith.constant 0 : i32
      %dma_wait3A_257 = arith.constant 0 : i32
      %dma_wait3A_258 = tpu.memref_slice %arg17[%dma_wait3A_256, %dma_wait3A_257] : memref<10240x128xi16, #tpu.memory_space<vmem_shared>> -> memref<10240x128xi16, #tpu.memory_space<vmem_shared>>
      tpu.wait_indirect_dma semaphore(%arg28 : memref<!tpu.dma_semaphore, #tpu.memory_space<semaphore_mem>>) src(%arg11 : memref<128x128xi16, #tpu.memory_space<vmem>>) dst(%dma_wait3A_258 : memref<10240x128xi16, #tpu.memory_space<vmem_shared>>)
      %add3A_259 = arith.constant 2 : i32
      %add3A_260 = arith.addi %add3A_110, %add3A_259 : i32
      %add3A_261 = arith.constant 8 : i32
      %add3A_262 = arith.addi %add3A_260, %add3A_261 : i32
      %lt3A_263 = arith.constant 80 : i32
      %lt3A_264 = arith.cmpi slt, %add3A_262, %lt3A_263 : i32
      %convert_element_type3A_265 = arith.extui %lt3A_264 : i1 to i32
      %cond3A_266 = arith.constant 0 : i32
      %cond3A_267 = arith.cmpi ne, %convert_element_type3A_265, %cond3A_266 : i32
      scf.if %cond3A_267 {
        %dma_start3A_343 = arith.constant 0 : i32
        %dma_start3A_344 = tpu.memref_slice %arg7[%add3A_262, %dma_start3A_343] : memref<80x128xi32, #tpu.memory_space<vmem>> -> memref<1x128xi32, #tpu.memory_space<vmem>>
        %dma_start3A_345 = tpu.memref_squeeze %dma_start3A_344 : memref<1x128xi32, #tpu.memory_space<vmem>> -> memref<128xi32, #tpu.memory_space<vmem>>
        %dma_start3A_346 = arith.constant 0 : i32
        %dma_start3A_347 = arith.constant 0 : i32
        %dma_start3A_348 = tpu.memref_slice %arg2[%dma_start3A_346, %dma_start3A_347] : memref<10000x128xi16, #tpu.memory_space<hbm>> -> memref<10000x128xi16, #tpu.memory_space<hbm>>
        tpu.enqueue_indirect_dma source(%dma_start3A_348 : memref<10000x128xi16, #tpu.memory_space<hbm>>) target(%arg11 : memref<128x128xi16, #tpu.memory_space<vmem>>) offsets(%dma_start3A_345 : memref<128xi32, #tpu.memory_space<vmem>>) semaphore(%arg20 : memref<!tpu.dma_semaphore, #tpu.memory_space<semaphore_mem>>)
      } else {
      }
      %dma_wait3A_268 = arith.constant 0 : i32
      %dma_wait3A_269 = tpu.memref_slice %arg8[%add3A_154, %dma_wait3A_268] : memref<80x128xi32, #tpu.memory_space<vmem>> -> memref<1x128xi32, #tpu.memory_space<vmem>>
      %dma_wait3A_270 = tpu.memref_squeeze %dma_wait3A_269 : memref<1x128xi32, #tpu.memory_space<vmem>> -> memref<128xi32, #tpu.memory_space<vmem>>
      %dma_wait3A_271 = arith.constant 0 : i32
      %dma_wait3A_272 = arith.constant 0 : i32
      %dma_wait3A_273 = tpu.memref_slice %arg17[%dma_wait3A_271, %dma_wait3A_272] : memref<10240x128xi16, #tpu.memory_space<vmem_shared>> -> memref<10240x128xi16, #tpu.memory_space<vmem_shared>>
      tpu.wait_indirect_dma semaphore(%arg29 : memref<!tpu.dma_semaphore, #tpu.memory_space<semaphore_mem>>) src(%arg12 : memref<128x128xi16, #tpu.memory_space<vmem>>) dst(%dma_wait3A_273 : memref<10240x128xi16, #tpu.memory_space<vmem_shared>>)
      %add3A_274 = arith.constant 3 : i32
      %add3A_275 = arith.addi %add3A_110, %add3A_274 : i32
      %add3A_276 = arith.constant 8 : i32
      %add3A_277 = arith.addi %add3A_275, %add3A_276 : i32
      %lt3A_278 = arith.constant 80 : i32
      %lt3A_279 = arith.cmpi slt, %add3A_277, %lt3A_278 : i32
      %convert_element_type3A_280 = arith.extui %lt3A_279 : i1 to i32
      %cond3A_281 = arith.constant 0 : i32
      %cond3A_282 = arith.cmpi ne, %convert_element_type3A_280, %cond3A_281 : i32
      scf.if %cond3A_282 {
        %dma_start3A_343 = arith.constant 0 : i32
        %dma_start3A_344 = tpu.memref_slice %arg7[%add3A_277, %dma_start3A_343] : memref<80x128xi32, #tpu.memory_space<vmem>> -> memref<1x128xi32, #tpu.memory_space<vmem>>
        %dma_start3A_345 = tpu.memref_squeeze %dma_start3A_344 : memref<1x128xi32, #tpu.memory_space<vmem>> -> memref<128xi32, #tpu.memory_space<vmem>>
        %dma_start3A_346 = arith.constant 0 : i32
        %dma_start3A_347 = arith.constant 0 : i32
        %dma_start3A_348 = tpu.memref_slice %arg2[%dma_start3A_346, %dma_start3A_347] : memref<10000x128xi16, #tpu.memory_space<hbm>> -> memref<10000x128xi16, #tpu.memory_space<hbm>>
        tpu.enqueue_indirect_dma source(%dma_start3A_348 : memref<10000x128xi16, #tpu.memory_space<hbm>>) target(%arg12 : memref<128x128xi16, #tpu.memory_space<vmem>>) offsets(%dma_start3A_345 : memref<128xi32, #tpu.memory_space<vmem>>) semaphore(%arg21 : memref<!tpu.dma_semaphore, #tpu.memory_space<semaphore_mem>>)
      } else {
      }
      %dma_wait3A_283 = arith.constant 0 : i32
      %dma_wait3A_284 = tpu.memref_slice %arg8[%add3A_168, %dma_wait3A_283] : memref<80x128xi32, #tpu.memory_space<vmem>> -> memref<1x128xi32, #tpu.memory_space<vmem>>
      %dma_wait3A_285 = tpu.memref_squeeze %dma_wait3A_284 : memref<1x128xi32, #tpu.memory_space<vmem>> -> memref<128xi32, #tpu.memory_space<vmem>>
      %dma_wait3A_286 = arith.constant 0 : i32
      %dma_wait3A_287 = arith.constant 0 : i32
      %dma_wait3A_288 = tpu.memref_slice %arg17[%dma_wait3A_286, %dma_wait3A_287] : memref<10240x128xi16, #tpu.memory_space<vmem_shared>> -> memref<10240x128xi16, #tpu.memory_space<vmem_shared>>
      tpu.wait_indirect_dma semaphore(%arg30 : memref<!tpu.dma_semaphore, #tpu.memory_space<semaphore_mem>>) src(%arg13 : memref<128x128xi16, #tpu.memory_space<vmem>>) dst(%dma_wait3A_288 : memref<10240x128xi16, #tpu.memory_space<vmem_shared>>)
      %add3A_289 = arith.constant 4 : i32
      %add3A_290 = arith.addi %add3A_110, %add3A_289 : i32
      %add3A_291 = arith.constant 8 : i32
      %add3A_292 = arith.addi %add3A_290, %add3A_291 : i32
      %lt3A_293 = arith.constant 80 : i32
      %lt3A_294 = arith.cmpi slt, %add3A_292, %lt3A_293 : i32
      %convert_element_type3A_295 = arith.extui %lt3A_294 : i1 to i32
      %cond3A_296 = arith.constant 0 : i32
      %cond3A_297 = arith.cmpi ne, %convert_element_type3A_295, %cond3A_296 : i32
      scf.if %cond3A_297 {
        %dma_start3A_343 = arith.constant 0 : i32
        %dma_start3A_344 = tpu.memref_slice %arg7[%add3A_292, %dma_start3A_343] : memref<80x128xi32, #tpu.memory_space<vmem>> -> memref<1x128xi32, #tpu.memory_space<vmem>>
        %dma_start3A_345 = tpu.memref_squeeze %dma_start3A_344 : memref<1x128xi32, #tpu.memory_space<vmem>> -> memref<128xi32, #tpu.memory_space<vmem>>
        %dma_start3A_346 = arith.constant 0 : i32
        %dma_start3A_347 = arith.constant 0 : i32
        %dma_start3A_348 = tpu.memref_slice %arg2[%dma_start3A_346, %dma_start3A_347] : memref<10000x128xi16, #tpu.memory_space<hbm>> -> memref<10000x128xi16, #tpu.memory_space<hbm>>
        tpu.enqueue_indirect_dma source(%dma_start3A_348 : memref<10000x128xi16, #tpu.memory_space<hbm>>) target(%arg13 : memref<128x128xi16, #tpu.memory_space<vmem>>) offsets(%dma_start3A_345 : memref<128xi32, #tpu.memory_space<vmem>>) semaphore(%arg22 : memref<!tpu.dma_semaphore, #tpu.memory_space<semaphore_mem>>)
      } else {
      }
      %dma_wait3A_298 = arith.constant 0 : i32
      %dma_wait3A_299 = tpu.memref_slice %arg8[%add3A_182, %dma_wait3A_298] : memref<80x128xi32, #tpu.memory_space<vmem>> -> memref<1x128xi32, #tpu.memory_space<vmem>>
      %dma_wait3A_300 = tpu.memref_squeeze %dma_wait3A_299 : memref<1x128xi32, #tpu.memory_space<vmem>> -> memref<128xi32, #tpu.memory_space<vmem>>
      %dma_wait3A_301 = arith.constant 0 : i32
      %dma_wait3A_302 = arith.constant 0 : i32
      %dma_wait3A_303 = tpu.memref_slice %arg17[%dma_wait3A_301, %dma_wait3A_302] : memref<10240x128xi16, #tpu.memory_space<vmem_shared>> -> memref<10240x128xi16, #tpu.memory_space<vmem_shared>>
      tpu.wait_indirect_dma semaphore(%arg31 : memref<!tpu.dma_semaphore, #tpu.memory_space<semaphore_mem>>) src(%arg14 : memref<128x128xi16, #tpu.memory_space<vmem>>) dst(%dma_wait3A_303 : memref<10240x128xi16, #tpu.memory_space<vmem_shared>>)
      %add3A_304 = arith.constant 5 : i32
      %add3A_305 = arith.addi %add3A_110, %add3A_304 : i32
      %add3A_306 = arith.constant 8 : i32
      %add3A_307 = arith.addi %add3A_305, %add3A_306 : i32
      %lt3A_308 = arith.constant 80 : i32
      %lt3A_309 = arith.cmpi slt, %add3A_307, %lt3A_308 : i32
      %convert_element_type3A_310 = arith.extui %lt3A_309 : i1 to i32
      %cond3A_311 = arith.constant 0 : i32
      %cond3A_312 = arith.cmpi ne, %convert_element_type3A_310, %cond3A_311 : i32
      scf.if %cond3A_312 {
        %dma_start3A_343 = arith.constant 0 : i32
        %dma_start3A_344 = tpu.memref_slice %arg7[%add3A_307, %dma_start3A_343] : memref<80x128xi32, #tpu.memory_space<vmem>> -> memref<1x128xi32, #tpu.memory_space<vmem>>
        %dma_start3A_345 = tpu.memref_squeeze %dma_start3A_344 : memref<1x128xi32, #tpu.memory_space<vmem>> -> memref<128xi32, #tpu.memory_space<vmem>>
        %dma_start3A_346 = arith.constant 0 : i32
        %dma_start3A_347 = arith.constant 0 : i32
        %dma_start3A_348 = tpu.memref_slice %arg2[%dma_start3A_346, %dma_start3A_347] : memref<10000x128xi16, #tpu.memory_space<hbm>> -> memref<10000x128xi16, #tpu.memory_space<hbm>>
        tpu.enqueue_indirect_dma source(%dma_start3A_348 : memref<10000x128xi16, #tpu.memory_space<hbm>>) target(%arg14 : memref<128x128xi16, #tpu.memory_space<vmem>>) offsets(%dma_start3A_345 : memref<128xi32, #tpu.memory_space<vmem>>) semaphore(%arg23 : memref<!tpu.dma_semaphore, #tpu.memory_space<semaphore_mem>>)
      } else {
      }
      %dma_wait3A_313 = arith.constant 0 : i32
      %dma_wait3A_314 = tpu.memref_slice %arg8[%add3A_196, %dma_wait3A_313] : memref<80x128xi32, #tpu.memory_space<vmem>> -> memref<1x128xi32, #tpu.memory_space<vmem>>
      %dma_wait3A_315 = tpu.memref_squeeze %dma_wait3A_314 : memref<1x128xi32, #tpu.memory_space<vmem>> -> memref<128xi32, #tpu.memory_space<vmem>>
      %dma_wait3A_316 = arith.constant 0 : i32
      %dma_wait3A_317 = arith.constant 0 : i32
      %dma_wait3A_318 = tpu.memref_slice %arg17[%dma_wait3A_316, %dma_wait3A_317] : memref<10240x128xi16, #tpu.memory_space<vmem_shared>> -> memref<10240x128xi16, #tpu.memory_space<vmem_shared>>
      tpu.wait_indirect_dma semaphore(%arg32 : memref<!tpu.dma_semaphore, #tpu.memory_space<semaphore_mem>>) src(%arg15 : memref<128x128xi16, #tpu.memory_space<vmem>>) dst(%dma_wait3A_318 : memref<10240x128xi16, #tpu.memory_space<vmem_shared>>)
      %add3A_319 = arith.constant 6 : i32
      %add3A_320 = arith.addi %add3A_110, %add3A_319 : i32
      %add3A_321 = arith.constant 8 : i32
      %add3A_322 = arith.addi %add3A_320, %add3A_321 : i32
      %lt3A_323 = arith.constant 80 : i32
      %lt3A_324 = arith.cmpi slt, %add3A_322, %lt3A_323 : i32
      %convert_element_type3A_325 = arith.extui %lt3A_324 : i1 to i32
      %cond3A_326 = arith.constant 0 : i32
      %cond3A_327 = arith.cmpi ne, %convert_element_type3A_325, %cond3A_326 : i32
      scf.if %cond3A_327 {
        %dma_start3A_343 = arith.constant 0 : i32
        %dma_start3A_344 = tpu.memref_slice %arg7[%add3A_322, %dma_start3A_343] : memref<80x128xi32, #tpu.memory_space<vmem>> -> memref<1x128xi32, #tpu.memory_space<vmem>>
        %dma_start3A_345 = tpu.memref_squeeze %dma_start3A_344 : memref<1x128xi32, #tpu.memory_space<vmem>> -> memref<128xi32, #tpu.memory_space<vmem>>
        %dma_start3A_346 = arith.constant 0 : i32
        %dma_start3A_347 = arith.constant 0 : i32
        %dma_start3A_348 = tpu.memref_slice %arg2[%dma_start3A_346, %dma_start3A_347] : memref<10000x128xi16, #tpu.memory_space<hbm>> -> memref<10000x128xi16, #tpu.memory_space<hbm>>
        tpu.enqueue_indirect_dma source(%dma_start3A_348 : memref<10000x128xi16, #tpu.memory_space<hbm>>) target(%arg15 : memref<128x128xi16, #tpu.memory_space<vmem>>) offsets(%dma_start3A_345 : memref<128xi32, #tpu.memory_space<vmem>>) semaphore(%arg24 : memref<!tpu.dma_semaphore, #tpu.memory_space<semaphore_mem>>)
      } else {
      }
      %dma_wait3A_328 = arith.constant 0 : i32
      %dma_wait3A_329 = tpu.memref_slice %arg8[%add3A_210, %dma_wait3A_328] : memref<80x128xi32, #tpu.memory_space<vmem>> -> memref<1x128xi32, #tpu.memory_space<vmem>>
      %dma_wait3A_330 = tpu.memref_squeeze %dma_wait3A_329 : memref<1x128xi32, #tpu.memory_space<vmem>> -> memref<128xi32, #tpu.memory_space<vmem>>
      %dma_wait3A_331 = arith.constant 0 : i32
      %dma_wait3A_332 = arith.constant 0 : i32
      %dma_wait3A_333 = tpu.memref_slice %arg17[%dma_wait3A_331, %dma_wait3A_332] : memref<10240x128xi16, #tpu.memory_space<vmem_shared>> -> memref<10240x128xi16, #tpu.memory_space<vmem_shared>>
      tpu.wait_indirect_dma semaphore(%arg33 : memref<!tpu.dma_semaphore, #tpu.memory_space<semaphore_mem>>) src(%arg16 : memref<128x128xi16, #tpu.memory_space<vmem>>) dst(%dma_wait3A_333 : memref<10240x128xi16, #tpu.memory_space<vmem_shared>>)
      %add3A_334 = arith.constant 7 : i32
      %add3A_335 = arith.addi %add3A_110, %add3A_334 : i32
      %add3A_336 = arith.constant 8 : i32
      %add3A_337 = arith.addi %add3A_335, %add3A_336 : i32
      %lt3A_338 = arith.constant 80 : i32
      %lt3A_339 = arith.cmpi slt, %add3A_337, %lt3A_338 : i32
      %convert_element_type3A_340 = arith.extui %lt3A_339 : i1 to i32
      %cond3A_341 = arith.constant 0 : i32
      %cond3A_342 = arith.cmpi ne, %convert_element_type3A_340, %cond3A_341 : i32
      scf.if %cond3A_342 {
        %dma_start3A_343 = arith.constant 0 : i32
        %dma_start3A_344 = tpu.memref_slice %arg7[%add3A_337, %dma_start3A_343] : memref<80x128xi32, #tpu.memory_space<vmem>> -> memref<1x128xi32, #tpu.memory_space<vmem>>
        %dma_start3A_345 = tpu.memref_squeeze %dma_start3A_344 : memref<1x128xi32, #tpu.memory_space<vmem>> -> memref<128xi32, #tpu.memory_space<vmem>>
        %dma_start3A_346 = arith.constant 0 : i32
        %dma_start3A_347 = arith.constant 0 : i32
        %dma_start3A_348 = tpu.memref_slice %arg2[%dma_start3A_346, %dma_start3A_347] : memref<10000x128xi16, #tpu.memory_space<hbm>> -> memref<10000x128xi16, #tpu.memory_space<hbm>>
        tpu.enqueue_indirect_dma source(%dma_start3A_348 : memref<10000x128xi16, #tpu.memory_space<hbm>>) target(%arg16 : memref<128x128xi16, #tpu.memory_space<vmem>>) offsets(%dma_start3A_345 : memref<128xi32, #tpu.memory_space<vmem>>) semaphore(%arg25 : memref<!tpu.dma_semaphore, #tpu.memory_space<semaphore_mem>>)
      } else {
      }
    }
    %scan3A_96 = arith.constant 10 : i32
    %barrier3A_97 = arith.constant 0 : index
    tpu.barrier barrier_id(%barrier3A_97)
    %mul3A_98 = arith.constant 640 : i32
    %mul3A_99 = arith.muli %arg1, %mul3A_98 : i32
    %lt3A = arith.constant 15 : i32
    %lt3A_100 = arith.cmpi slt, %arg1, %lt3A : i32
    %convert_element_type3A = arith.extui %lt3A_100 : i1 to i32
    %cond3A = arith.constant 0 : i32
    %cond3A_101 = arith.cmpi ne, %convert_element_type3A, %cond3A : i32
    scf.if %cond3A_101 {
      %mul3A_106 = arith.constant 10000 : i32
      %mul3A_107 = arith.muli %arg0, %mul3A_106 : i32
      %add3A_108 = arith.addi %mul3A_107, %mul3A_99 : i32
      "tpu.region"() ({
        %run_scoped3A = tpu.sem_alloc : memref<!tpu.dma_semaphore, #tpu.memory_space<semaphore_mem>>
        %dma_start3A_109 = arith.constant 0 : i32
        %dma_start3A_110 = tpu.memref_slice %arg6[%add3A_108, %dma_start3A_109] : memref<20000x128xi16, #tpu.memory_space<hbm>> -> memref<640x128xi16, #tpu.memory_space<hbm>>
        %dma_start3A_111 = arith.constant 0 : i32
        %dma_start3A_112 = tpu.memref_slice %arg17[%mul3A_99, %dma_start3A_111] : memref<10240x128xi16, #tpu.memory_space<vmem_shared>> -> memref<640x128xi16, #tpu.memory_space<vmem_shared>>
        tpu.enqueue_dma source(%dma_start3A_112 : memref<640x128xi16, #tpu.memory_space<vmem_shared>>) target(%dma_start3A_110 : memref<640x128xi16, #tpu.memory_space<hbm>>) target_semaphore(%run_scoped3A : memref<!tpu.dma_semaphore, #tpu.memory_space<semaphore_mem>>)
        %dma_wait3A_113 = arith.constant 0 : i32
        %dma_wait3A_114 = tpu.memref_slice %arg6[%add3A_108, %dma_wait3A_113] : memref<20000x128xi16, #tpu.memory_space<hbm>> -> memref<640x128xi16, #tpu.memory_space<hbm>>
        %dma_wait3A_115 = arith.constant 0 : i32
        %dma_wait3A_116 = tpu.memref_slice %arg17[%mul3A_99, %dma_wait3A_115] : memref<10240x128xi16, #tpu.memory_space<vmem_shared>> -> memref<640x128xi16, #tpu.memory_space<vmem_shared>>
        tpu.wait_dma2 semaphore(%run_scoped3A : memref<!tpu.dma_semaphore, #tpu.memory_space<semaphore_mem>>) src(%dma_wait3A_116 : memref<640x128xi16, #tpu.memory_space<vmem_shared>>) dst(%dma_wait3A_114 : memref<640x128xi16, #tpu.memory_space<hbm>>)
        tpu.yield
      }) : () -> ()
    } else {
    }
    %eq3A = arith.constant 15 : i32
    %eq3A_102 = arith.cmpi eq, %arg1, %eq3A : i32
    %convert_element_type3A_103 = arith.extui %eq3A_102 : i1 to i32
    %cond3A_104 = arith.constant 0 : i32
    %cond3A_105 = arith.cmpi ne, %convert_element_type3A_103, %cond3A_104 : i32
    scf.if %cond3A_105 {
      %mul3A_106 = arith.constant 10000 : i32
      %mul3A_107 = arith.muli %arg0, %mul3A_106 : i32
      %add3A_108 = arith.addi %mul3A_107, %mul3A_99 : i32
      "tpu.region"() ({
        %run_scoped3A = tpu.sem_alloc : memref<!tpu.dma_semaphore, #tpu.memory_space<semaphore_mem>>
        %dma_start3A_109 = arith.constant 0 : i32
        %dma_start3A_110 = tpu.memref_slice %arg6[%add3A_108, %dma_start3A_109] : memref<20000x128xi16, #tpu.memory_space<hbm>> -> memref<400x128xi16, #tpu.memory_space<hbm>>
        %dma_start3A_111 = arith.constant 0 : i32
        %dma_start3A_112 = tpu.memref_slice %arg17[%mul3A_99, %dma_start3A_111] : memref<10240x128xi16, #tpu.memory_space<vmem_shared>> -> memref<400x128xi16, #tpu.memory_space<vmem_shared>>
        tpu.enqueue_dma source(%dma_start3A_112 : memref<400x128xi16, #tpu.memory_space<vmem_shared>>) target(%dma_start3A_110 : memref<400x128xi16, #tpu.memory_space<hbm>>) target_semaphore(%run_scoped3A : memref<!tpu.dma_semaphore, #tpu.memory_space<semaphore_mem>>)
        %dma_wait3A_113 = arith.constant 0 : i32
        %dma_wait3A_114 = tpu.memref_slice %arg6[%add3A_108, %dma_wait3A_113] : memref<20000x128xi16, #tpu.memory_space<hbm>> -> memref<400x128xi16, #tpu.memory_space<hbm>>
        %dma_wait3A_115 = arith.constant 0 : i32
        %dma_wait3A_116 = tpu.memref_slice %arg17[%mul3A_99, %dma_wait3A_115] : memref<10240x128xi16, #tpu.memory_space<vmem_shared>> -> memref<400x128xi16, #tpu.memory_space<vmem_shared>>
        tpu.wait_dma2 semaphore(%run_scoped3A : memref<!tpu.dma_semaphore, #tpu.memory_space<semaphore_mem>>) src(%dma_wait3A_116 : memref<400x128xi16, #tpu.memory_space<vmem_shared>>) dst(%dma_wait3A_114 : memref<400x128xi16, #tpu.memory_space<hbm>>)
        tpu.yield
      }) : () -> ()
    } else {
    }
    return
  }
}

module attributes {stable_mosaic.version = 14 : i64} {
  func.func @_mlp_body(%arg0: i32, %arg1: i32, %arg2: memref<1x1xf32, #tpu.memory_space<smem>>, %arg3: memref<2000x128xf32, #tpu.memory_space<vmem>>, %arg4: memref<2x2000x128xi16, #tpu.memory_space<vmem>>, %arg5: memref<128x256xf32, #tpu.memory_space<vmem>>, %arg6: memref<1x256xf32, #tpu.memory_space<vmem>>, %arg7: memref<1x256xf32, #tpu.memory_space<vmem>>, %arg8: memref<1x256xf32, #tpu.memory_space<vmem>>, %arg9: memref<256x128xf32, #tpu.memory_space<vmem>>, %arg10: memref<1x128xf32, #tpu.memory_space<vmem>>, %arg11: memref<2000x128xf32, #tpu.memory_space<vmem>>, %arg12: memref<10000x256xf32, #tpu.memory_space<vmem>>, %arg13: memref<2x256xf32, #tpu.memory_space<vmem>>) attributes {dimension_semantics = [#tpu.dimension_semantics<arbitrary>, #tpu.dimension_semantics<arbitrary>], iteration_bounds = array<i64: 2, 5>, scalar_prefetch = 0 : i64, scratch_operands = 2 : i64, tpu.core_type = #tpu.core_type<tc>, window_params = [{transform_indices = @transform_0, window_bounds = array<i64: 1, 1>}, {transform_indices = @transform_1, window_bounds = array<i64: 2000, 128>}, {transform_indices = @transform_2, window_bounds = array<i64: 2, 2000, 128>}, {pipeline_mode = #tpu.pipeline_mode<synchronous>, transform_indices = @transform_3, window_bounds = array<i64: 128, 256>}, {pipeline_mode = #tpu.pipeline_mode<synchronous>, transform_indices = @transform_4, window_bounds = array<i64: 1, 256>}, {pipeline_mode = #tpu.pipeline_mode<synchronous>, transform_indices = @transform_5, window_bounds = array<i64: 1, 256>}, {pipeline_mode = #tpu.pipeline_mode<synchronous>, transform_indices = @transform_6, window_bounds = array<i64: 1, 256>}, {pipeline_mode = #tpu.pipeline_mode<synchronous>, transform_indices = @transform_7, window_bounds = array<i64: 256, 128>}, {pipeline_mode = #tpu.pipeline_mode<synchronous>, transform_indices = @transform_8, window_bounds = array<i64: 1, 128>}, {transform_indices = @transform_9, window_bounds = array<i64: 2000, 128>}]} {
    %eq3A = arith.constant 0 : i32
    %eq3A_0 = arith.cmpi eq, %arg0, %eq3A : i32
    %convert_element_type3A = arith.extui %eq3A_0 : i1 to i32
    %cond3A = arith.constant 0 : i32
    %cond3A_1 = arith.cmpi ne, %convert_element_type3A, %cond3A : i32
    scf.if %cond3A_1 {
      %get3A = arith.constant 0 : index
      %get3A_7 = arith.constant 0 : index
      %get3A_8 = arith.constant 0 : index
      %get3A_9 = vector.load %arg4[%get3A, %get3A_7, %get3A_8] : memref<2x2000x128xi16, #tpu.memory_space<vmem>>, vector<1x2000x128xi16>
      %get3A_10 = vector.shape_cast %get3A_9 : vector<1x2000x128xi16> to vector<2000x128xi16>
      %convert_element_type3A_11 = arith.sitofp %get3A_10 : vector<2000x128xi16> to vector<2000x128xf32>
      %get3A_12 = arith.constant 1 : index
      %get3A_13 = arith.constant 0 : index
      %get3A_14 = arith.constant 0 : index
      %get3A_15 = vector.load %arg4[%get3A_12, %get3A_13, %get3A_14] : memref<2x2000x128xi16, #tpu.memory_space<vmem>>, vector<1x2000x128xi16>
      %get3A_16 = vector.shape_cast %get3A_15 : vector<1x2000x128xi16> to vector<2000x128xi16>
      %convert_element_type3A_17 = arith.sitofp %get3A_16 : vector<2000x128xi16> to vector<2000x128xf32>
      %add3A = arith.addf %convert_element_type3A_11, %convert_element_type3A_17 : vector<2000x128xf32>
      %mul3A = arith.constant 0.001953125 : f32
      %mul3A_18 = vector.broadcast %mul3A : f32 to vector<2000x128xf32>
      %mul3A_19 = arith.mulf %add3A, %mul3A_18 : vector<2000x128xf32>
      %get3A_20 = arith.constant 0 : index
      %get3A_21 = arith.constant 0 : index
      %get3A_22 = memref.load %arg2[%get3A_20, %get3A_21] : memref<1x1xf32, #tpu.memory_space<smem>>
      %get3A_23 = arith.constant 0 : index
      %get3A_24 = arith.constant 0 : index
      %get3A_25 = vector.load %arg3[%get3A_23, %get3A_24] : memref<2000x128xf32, #tpu.memory_space<vmem>>, vector<2000x128xf32>
      %mul3A_26 = vector.broadcast %get3A_22 : f32 to vector<2000x128xf32>
      %mul3A_27 = arith.mulf %mul3A_26, %get3A_25 : vector<2000x128xf32>
      %add3A_28 = arith.addf %mul3A_27, %mul3A_19 : vector<2000x128xf32>
      %get3A_29 = arith.constant 0 : index
      %get3A_30 = arith.constant 0 : index
      %get3A_31 = vector.load %arg5[%get3A_29, %get3A_30] : memref<128x256xf32, #tpu.memory_space<vmem>>, vector<128x256xf32>
      %dot_general3A = arith.constant dense<0.000000e+00> : vector<2000x256xf32>
      %dot_general3A_32 = tpu.matmul %add3A_28, %get3A_31, %dot_general3A {dimension_numbers = #tpu.dot_dimension_numbers<[1], [0], [0], [1], [0, 0, 1, 1], [], []>, transpose_lhs_hint = false} : vector<2000x128xf32>, vector<128x256xf32>, vector<2000x256xf32> -> vector<2000x256xf32>
      %get3A_33 = arith.constant 0 : index
      %get3A_34 = arith.constant 0 : index
      %get3A_35 = vector.load %arg6[%get3A_33, %get3A_34] : memref<1x256xf32, #tpu.memory_space<vmem>>, vector<1x256xf32>
      %add3A_36 = vector.broadcast %get3A_35 : vector<1x256xf32> to vector<2000x256xf32>
      %add3A_37 = arith.addf %dot_general3A_32, %add3A_36 : vector<2000x256xf32>
      %mul3A_38 = arith.constant 2000 : i32
      %mul3A_39 = arith.muli %arg1, %mul3A_38 : i32
      %swap3A = arith.index_cast %mul3A_39 : i32 to index
      %swap3A_40 = arith.constant 0 : index
      %swap3A_41 = vector.load %arg12[%swap3A, %swap3A_40] : memref<10000x256xf32, #tpu.memory_space<vmem>>, vector<2000x256xf32>
      tpu.vector_store %arg12[%swap3A, %swap3A_40], %add3A_37 {strides = array<i32>} : memref<10000x256xf32, #tpu.memory_space<vmem>>, vector<2000x256xf32>,
      %eq3A_42 = arith.constant 0 : i32
      %eq3A_43 = arith.cmpi eq, %arg1, %eq3A_42 : i32
      %convert_element_type3A_44 = arith.extui %eq3A_43 : i1 to i32
      %cond3A_45 = arith.constant 0 : i32
      %cond3A_46 = arith.cmpi ne, %convert_element_type3A_44, %cond3A_45 : i32
      scf.if %cond3A_46 {
        %broadcast_in_dim3A = arith.constant 0.000000e+00 : f32
        %broadcast_in_dim3A_60 = vector.broadcast %broadcast_in_dim3A : f32 to vector<2x256xf32>
        %swap3A_61 = arith.constant 0 : index
        %swap3A_62 = arith.constant 0 : index
        %swap3A_63 = vector.load %arg13[%swap3A_61, %swap3A_62] : memref<2x256xf32, #tpu.memory_space<vmem>>, vector<2x256xf32>
        tpu.vector_store %arg13[%swap3A_61, %swap3A_62], %broadcast_in_dim3A_60 {strides = array<i32>} : memref<2x256xf32, #tpu.memory_space<vmem>>, vector<2x256xf32>,
      } else {
      }
      %get3A_47 = arith.constant 0 : index
      %get3A_48 = arith.constant 0 : index
      %get3A_49 = vector.load %arg13[%get3A_47, %get3A_48] : memref<2x256xf32, #tpu.memory_space<vmem>>, vector<2x256xf32>
      %reduce_sum3A = arith.constant dense<0.000000e+00> : vector<256xf32>
      %reduce_sum3A_50 = vector.multi_reduction <add>, %add3A_37, %reduce_sum3A [0] : vector<2000x256xf32> to vector<256xf32>
      %mul3A_51 = arith.mulf %add3A_37, %add3A_37 : vector<2000x256xf32>
      %reduce_sum3A_52 = arith.constant dense<0.000000e+00> : vector<256xf32>
      %reduce_sum3A_53 = vector.multi_reduction <add>, %mul3A_51, %reduce_sum3A_52 [0] : vector<2000x256xf32> to vector<256xf32>
      %stack3A = vector.shape_cast %reduce_sum3A_50 : vector<256xf32> to vector<1x256xf32>
      %stack3A_54 = vector.shape_cast %reduce_sum3A_53 : vector<256xf32> to vector<1x256xf32>
      %stack3A_55 = tpu.concatenate %stack3A, %stack3A_54 in 0 : vector<1x256xf32>, vector<1x256xf32> -> vector<2x256xf32>
      %add3A_56 = arith.addf %get3A_49, %stack3A_55 : vector<2x256xf32>
      %swap3A_57 = arith.constant 0 : index
      %swap3A_58 = arith.constant 0 : index
      %swap3A_59 = vector.load %arg13[%swap3A_57, %swap3A_58] : memref<2x256xf32, #tpu.memory_space<vmem>>, vector<2x256xf32>
      tpu.vector_store %arg13[%swap3A_57, %swap3A_58], %add3A_56 {strides = array<i32>} : memref<2x256xf32, #tpu.memory_space<vmem>>, vector<2x256xf32>,
    } else {
    }
    %eq3A_2 = arith.constant 1 : i32
    %eq3A_3 = arith.cmpi eq, %arg0, %eq3A_2 : i32
    %convert_element_type3A_4 = arith.extui %eq3A_3 : i1 to i32
    %cond3A_5 = arith.constant 0 : i32
    %cond3A_6 = arith.cmpi ne, %convert_element_type3A_4, %cond3A_5 : i32
    scf.if %cond3A_6 {
      %get3A = arith.constant 0 : index
      %get3A_7 = arith.constant 0 : index
      %get3A_8 = vector.load %arg13[%get3A, %get3A_7] : memref<2x256xf32, #tpu.memory_space<vmem>>, vector<1x256xf32>
      %div3A = arith.constant 1.000000e+04 : f32
      %div3A_9 = vector.broadcast %div3A : f32 to vector<1x256xf32>
      %div3A_10 = arith.divf %get3A_8, %div3A_9 : vector<1x256xf32>
      %get3A_11 = arith.constant 1 : index
      %get3A_12 = arith.constant 0 : index
      %get3A_13 = vector.load %arg13[%get3A_11, %get3A_12] : memref<2x256xf32, #tpu.memory_space<vmem>>, vector<1x256xf32>
      %div3A_14 = arith.constant 1.000000e+04 : f32
      %div3A_15 = vector.broadcast %div3A_14 : f32 to vector<1x256xf32>
      %div3A_16 = arith.divf %get3A_13, %div3A_15 : vector<1x256xf32>
      %mul3A = arith.mulf %div3A_10, %div3A_10 : vector<1x256xf32>
      %sub3A = arith.subf %div3A_16, %mul3A : vector<1x256xf32>
      %add3A = arith.constant 9.99999974E-6 : f32
      %add3A_17 = vector.broadcast %add3A : f32 to vector<1x256xf32>
      %add3A_18 = arith.addf %sub3A, %add3A_17 : vector<1x256xf32>
      %rsqrt3A = math.rsqrt %add3A_18 : vector<1x256xf32>
      %get3A_19 = arith.constant 0 : index
      %get3A_20 = arith.constant 0 : index
      %get3A_21 = vector.load %arg7[%get3A_19, %get3A_20] : memref<1x256xf32, #tpu.memory_space<vmem>>, vector<1x256xf32>
      %mul3A_22 = arith.mulf %rsqrt3A, %get3A_21 : vector<1x256xf32>
      %mul3A_23 = arith.constant 2000 : i32
      %mul3A_24 = arith.muli %arg1, %mul3A_23 : i32
      %get3A_25 = arith.index_cast %mul3A_24 : i32 to index
      %get3A_26 = arith.constant 0 : index
      %get3A_27 = vector.load %arg12[%get3A_25, %get3A_26] : memref<10000x256xf32, #tpu.memory_space<vmem>>, vector<2000x256xf32>
      %sub3A_28 = vector.broadcast %div3A_10 : vector<1x256xf32> to vector<2000x256xf32>
      %sub3A_29 = arith.subf %get3A_27, %sub3A_28 : vector<2000x256xf32>
      %mul3A_30 = vector.broadcast %mul3A_22 : vector<1x256xf32> to vector<2000x256xf32>
      %mul3A_31 = arith.mulf %sub3A_29, %mul3A_30 : vector<2000x256xf32>
      %get3A_32 = arith.constant 0 : index
      %get3A_33 = arith.constant 0 : index
      %get3A_34 = vector.load %arg8[%get3A_32, %get3A_33] : memref<1x256xf32, #tpu.memory_space<vmem>>, vector<1x256xf32>
      %add3A_35 = vector.broadcast %get3A_34 : vector<1x256xf32> to vector<2000x256xf32>
      %add3A_36 = arith.addf %mul3A_31, %add3A_35 : vector<2000x256xf32>
      %max3A = arith.constant 0.000000e+00 : f32
      %max3A_37 = vector.broadcast %max3A : f32 to vector<2000x256xf32>
      %max3A_38 = arith.maximumf %add3A_36, %max3A_37 : vector<2000x256xf32>
      %get3A_39 = arith.constant 0 : index
      %get3A_40 = arith.constant 0 : index
      %get3A_41 = vector.load %arg9[%get3A_39, %get3A_40] : memref<256x128xf32, #tpu.memory_space<vmem>>, vector<256x128xf32>
      %dot_general3A = arith.constant dense<0.000000e+00> : vector<2000x128xf32>
      %dot_general3A_42 = tpu.matmul %max3A_38, %get3A_41, %dot_general3A {dimension_numbers = #tpu.dot_dimension_numbers<[1], [0], [0], [1], [0, 0, 1, 1], [], []>, transpose_lhs_hint = false} : vector<2000x256xf32>, vector<256x128xf32>, vector<2000x128xf32> -> vector<2000x128xf32>
      %get3A_43 = arith.constant 0 : index
      %get3A_44 = arith.constant 0 : index
      %get3A_45 = vector.load %arg10[%get3A_43, %get3A_44] : memref<1x128xf32, #tpu.memory_space<vmem>>, vector<1x128xf32>
      %add3A_46 = vector.broadcast %get3A_45 : vector<1x128xf32> to vector<2000x128xf32>
      %add3A_47 = arith.addf %dot_general3A_42, %add3A_46 : vector<2000x128xf32>
      %swap3A = arith.constant 0 : index
      %swap3A_48 = arith.constant 0 : index
      %swap3A_49 = vector.load %arg11[%swap3A, %swap3A_48] : memref<2000x128xf32, #tpu.memory_space<vmem>>, vector<2000x128xf32>
      tpu.vector_store %arg11[%swap3A, %swap3A_48], %add3A_47 {strides = array<i32>} : memref<2000x128xf32, #tpu.memory_space<vmem>>, vector<2000x128xf32>,
    } else {
    }
    return
  }
  func.func @transform_0(%arg0: i32, %arg1: i32) -> (i32, i32) {
    %c0_i32 = arith.constant 0 : i32
    %c0_i32_0 = arith.constant 0 : i32
    %c0_i32_1 = arith.constant 0 : i32
    return %c0_i32, %c0_i32_0 : i32, i32
  }
  func.func @transform_1(%arg0: i32, %arg1: i32) -> (i32, i32) {
    %eq3A = arith.constant 0 : i32
    %eq3A_0 = arith.cmpi eq, %arg0, %eq3A : i32
    %jit3A = arith.constant 0 : i32
    %select_n3A = arith.select %eq3A_0, %arg1, %jit3A : i32
    %c0_i32 = arith.constant 0 : i32
    %c0_i32_1 = arith.constant 0 : i32
    return %select_n3A, %c0_i32 : i32, i32
  }
  func.func @transform_2(%arg0: i32, %arg1: i32) -> (i32, i32, i32) {
    %eq3A = arith.constant 0 : i32
    %eq3A_0 = arith.cmpi eq, %arg0, %eq3A : i32
    %jit3A = arith.constant 0 : i32
    %select_n3A = arith.select %eq3A_0, %arg1, %jit3A : i32
    %c0_i32 = arith.constant 0 : i32
    %c0_i32_1 = arith.constant 0 : i32
    %c0_i32_2 = arith.constant 0 : i32
    return %c0_i32, %select_n3A, %c0_i32_1 : i32, i32, i32
  }
  func.func @transform_3(%arg0: i32, %arg1: i32) -> (i32, i32) {
    %c0_i32 = arith.constant 0 : i32
    %c0_i32_0 = arith.constant 0 : i32
    %c0_i32_1 = arith.constant 0 : i32
    return %c0_i32, %c0_i32_0 : i32, i32
  }
  func.func @transform_4(%arg0: i32, %arg1: i32) -> (i32, i32) {
    %c0_i32 = arith.constant 0 : i32
    %c0_i32_0 = arith.constant 0 : i32
    %c0_i32_1 = arith.constant 0 : i32
    return %c0_i32, %c0_i32_0 : i32, i32
  }
  func.func @transform_5(%arg0: i32, %arg1: i32) -> (i32, i32) {
    %c0_i32 = arith.constant 0 : i32
    %c0_i32_0 = arith.constant 0 : i32
    %c0_i32_1 = arith.constant 0 : i32
    return %c0_i32, %c0_i32_0 : i32, i32
  }
  func.func @transform_6(%arg0: i32, %arg1: i32) -> (i32, i32) {
    %c0_i32 = arith.constant 0 : i32
    %c0_i32_0 = arith.constant 0 : i32
    %c0_i32_1 = arith.constant 0 : i32
    return %c0_i32, %c0_i32_0 : i32, i32
  }
  func.func @transform_7(%arg0: i32, %arg1: i32) -> (i32, i32) {
    %c0_i32 = arith.constant 0 : i32
    %c0_i32_0 = arith.constant 0 : i32
    %c0_i32_1 = arith.constant 0 : i32
    return %c0_i32, %c0_i32_0 : i32, i32
  }
  func.func @transform_8(%arg0: i32, %arg1: i32) -> (i32, i32) {
    %c0_i32 = arith.constant 0 : i32
    %c0_i32_0 = arith.constant 0 : i32
    %c0_i32_1 = arith.constant 0 : i32
    return %c0_i32, %c0_i32_0 : i32, i32
  }
  func.func @transform_9(%arg0: i32, %arg1: i32) -> (i32, i32) {
    %eq3A = arith.constant 0 : i32
    %eq3A_0 = arith.cmpi eq, %arg0, %eq3A : i32
    %jit3A = arith.constant 0 : i32
    %select_n3A = arith.select %eq3A_0, %jit3A, %arg1 : i32
    %c0_i32 = arith.constant 0 : i32
    %c0_i32_1 = arith.constant 0 : i32
    return %select_n3A, %c0_i32 : i32, i32
  }
}

</mosaic_0001>

<sc_bundles>
// kernel: kernel.4.cloned.1.call-start
scs
__scs_entry_jumppad:
0x0: {  	(pc) =	sbr.rel $0x88, $3  }
0x1: {  	(tag) =	ssettag $0x0;
	lr =	simm.s32 $0x1  }
0x2: {  	[smem:$0x3F98] =	sst lr;
	_ =	strace $0xD0000000  }
0x3: {  	_ = 	snop  }
0x4: {  	_ = 	snop  }
0x5: {  	_ = 	snop  }
0x6: {  	_ = 	snop  }
0x7: {  	_ = 	snop  }
__scs_overlays_trampoline_lowered:
0x8: {  	[smem:$0x3FA7] =	sst s0  }
0x9: {  	[smem:$0x3FA8] =	sst s1  }
0xa: {  	[smem:$0x3FA9] =	sst s2  }
0xb: {  	[smem:$0x3FAA] =	sst s3  }
0xc: {  	[smem:$0x3FAB] =	sst s4  }
0xd: {  	[smem:$0x3FAC] =	sst s5  }
0xe: {  	[smem:$0x3FAD] =	sst s6  }
0xf: {  	[smem:$0x3FAE] =	sst s7  }
0x10: {  	[smem:$0x3FAF] =	sst s8  }
0x11: {  	[smem:$0x3FB0] =	sst s9;
	s0 =	simm.s32 @!p0 $0x0  }
0x12: {  	s1 =	sld [smem:$0x3F96];
	s0 =	simm.s32 @p0 $0x1  }
0x13: {  	[smem:$0x3FB1] =	sst s0;
	s0 =	simm.s32 @!p1 $0x0  }
0x14: {  	s2 =	sld [smem:$0x3F95];
	s0 =	simm.s32 @p1 $0x1  }
0x15: {  	[smem:$0x3FB2] =	sst s0;
	s0 =	simm.s32 @!p2 $0x0  }
0x16: {  	s3 =	sld [smem:$0x3FDB];
	s0 =	simm.s32 @p2 $0x1  }
0x17: {  	s4 =	simm.s32 $0x1BF5;
	[smem:$0x3FB4] =	sst s0  }
0x18: {  	s0 =	sld [smem:$0x3F97];
	_ =	swait.ge [sflag:s4], $0x0  }
0x19: {  	s7 =	sld [smem:$0x3F98]  }
0x1a: {  	s8 =	sadd.s32 $0xFFFFE003, lr  }
0x1b: {  	s9 =	sadd.s32 $0xFFFFFEF7, lr;
	s5 =	simm.s32 $0xFFFFFFFF;
	p2 =	slt.u32 s8, $0xFFFFF086  }
0x1c: {  	p1 =	slt.u32 s9, $0xF7A;
	s5 =	simm.s32 @!p2 $0x0  }
0x1d: {  	s5 =	simm.s32 @p1 $0x1;
	p0 =	seq.s32 s7, s2  }
0x1e: {  	s7 =	smul.u32 @!p0 $0xF7A, s2;
	p2 =	seq.s32 @!p0 s5, $0x0  }
0x1f: {  	s9 =	smul.u32 $0xF7A, s1;
	s8 =	simm.s32 @!p0 $0x1BF5;
	p2 =	por !p2, p0  }
0x20: {  	[sflag:s8] =	ssyncset.s32 @!p0 $0xFFFFF086;
	s6 =	sadd.s32 @!p0 s3, s7;
	s7 =	simm.s32 @!p0 $0x108  }
0x21: {  	s3 =	sadd.s32 s3, s9;
	s6 =	sadd.s32 @!p0 $0x88, s6;
	s7 =	simm.s32 @p2 $0x1082  }
0x22: {  	[simem:s7], [sflag:s8] =	dma.local @!p0 [hbm:s6], $0xF7A  }
0x23: {  	s9 =	sor.u32 $0xD0000000, s2;
	s6 =	simm.s32 $0x108;
	_ =	swait.ge @!p0 [sflag:s8], $0x0  }
0x24: {  	s3 =	sadd.s32 $0x88, s3;
	s6 =	simm.s32 @!p1 $0x1082;
	[sflag:s4] =	ssyncset.s32 $0xFFFFF086  }
0x25: {  	[simem:s6], [sflag:s4] =	dma.local [hbm:s3], $0xF7A  }
0x26: {  	[smem:$0x3F98] =	sst s1;
	(tag) =	ssettag s2;
	_ =	strace s9  }
0x27: {  	s1 =	sld [smem:$0x3FA8]  }
0x28: {  	s2 =	sld [smem:$0x3FA9]  }
0x29: {  	s4 =	sld [smem:$0x3FAB]  }
0x2a: {  	p0 =	seq.s32 s5, $0x0;
	s5 =	sld [smem:$0x3FAC]  }
0x2b: {  	s6 =	sld [smem:$0x3FAD]  }
0x2c: {  	s7 =	sld [smem:$0x3FAE]  }
0x2d: {  	s3 =	simm.s32 $0x108;
	s8 =	sld [smem:$0x3FAF]  }
0x2e: {  	s3 =	simm.s32 @!p0 $0x1082;
	s9 =	sld [smem:$0x3FB0]  }
0x2f: {  	lr =	sadd.s32 s0, s3;
	s0 =	sld [smem:$0x3FA7]  }
0x30: {  	s3 =	sld [smem:$0x3FAA]  }
0x31: {  	[smem:$0x3FB3] =	sst s10  }
0x32: {  	s10 =	sld [smem:$0x3FB1];
	_ =	sdelay $0x3  }
0x33: {  	p0 =	seq.s32 s10, $0x1;
	s10 =	sld [smem:$0x3FB3];
	_ =	sdelay $0x3  }
0x34: {  	[smem:$0x3FB3] =	sst s10  }
0x35: {  	s10 =	sld [smem:$0x3FB2];
	_ =	sdelay $0x3  }
0x36: {  	p1 =	seq.s32 s10, $0x1;
	s10 =	sld [smem:$0x3FB3];
	_ =	sdelay $0x3  }
0x37: {  	[smem:$0x3FB3] =	sst s10  }
0x38: {  	s10 =	sld [smem:$0x3FB4]  }
0x39: {  	_ = 	snop;
	(pc) =	sbr.ind lr, $3  }
0x3a: {  	_ = 	snop  }
0x3b: {  	_ = 	snop  }
0x3c: {  	p2 =	seq.s32 s10, $0x1;
	s10 =	sld [smem:$0x3FB3]  }
0x3d: {  	_ =	shalt  }
0x3e: {  	_ =	shalt  }
0x3f: {  	_ =	shalt  }
0x40: {  	_ =	shalt  }
0x41: {  	_ =	shalt  }
0x42: {  	_ =	shalt  }
0x43: {  	_ =	shalt  }
0x44: {  	_ =	shalt  }
0x45: {  	_ =	shalt  }
0x46: {  	_ =	shalt  }
0x47: {  	_ =	shalt  }
0x48: {  	_ =	shalt  }
0x49: {  	_ =	shalt  }
0x4a: {  	_ =	shalt  }
0x4b: {  	_ =	shalt  }
0x4c: {  	_ =	shalt  }
0x4d: {  	_ =	shalt  }
0x4e: {  	_ =	shalt  }
0x4f: {  	_ =	shalt  }
0x50: {  	_ =	shalt  }
0x51: {  	_ =	shalt  }
0x52: {  	_ =	shalt  }
0x53: {  	_ =	shalt  }
0x54: {  	_ =	shalt  }
0x55: {  	_ =	shalt  }
0x56: {  	_ =	shalt  }
0x57: {  	_ =	shalt  }
0x58: {  	_ =	shalt  }
0x59: {  	_ =	shalt  }
0x5a: {  	_ =	shalt  }
0x5b: {  	_ =	shalt  }
0x5c: {  	_ =	shalt  }
0x5d: {  	_ =	shalt  }
0x5e: {  	_ =	shalt  }
0x5f: {  	_ =	shalt  }
0x60: {  	_ =	shalt  }
0x61: {  	_ =	shalt  }
0x62: {  	_ =	shalt  }
0x63: {  	_ =	shalt  }
0x64: {  	_ =	shalt  }
0x65: {  	_ =	shalt  }
0x66: {  	_ =	shalt  }
0x67: {  	_ =	shalt  }
0x68: {  	_ =	shalt  }
0x69: {  	_ =	shalt  }
0x6a: {  	_ =	shalt  }
0x6b: {  	_ =	shalt  }
0x6c: {  	_ =	shalt  }
0x6d: {  	_ =	shalt  }
0x6e: {  	_ =	shalt  }
0x6f: {  	_ =	shalt  }
0x70: {  	_ =	shalt  }
0x71: {  	_ =	shalt  }
0x72: {  	_ =	shalt  }
0x73: {  	_ =	shalt  }
0x74: {  	_ =	shalt  }
0x75: {  	_ =	shalt  }
0x76: {  	_ =	shalt  }
0x77: {  	_ =	shalt  }
0x78: {  	_ =	shalt  }
0x79: {  	_ =	shalt  }
0x7a: {  	_ =	shalt  }
0x7b: {  	_ =	shalt  }
0x7c: {  	_ =	shalt  }
0x7d: {  	_ =	shalt  }
0x7e: {  	_ =	shalt  }
0x7f: {  	_ =	shalt  }
0x80: {  	_ =	shalt  }
0x81: {  	_ =	shalt  }
0x82: {  	_ =	shalt  }
0x83: {  	_ =	shalt  }
0x84: {  	_ =	shalt  }
0x85: {  	_ =	shalt  }
0x86: {  	_ =	shalt  }
0x87: {  	_ =	shalt  }
.Lfunc_end0:
.L_simem_size_0:
called_computation_lowered:
.L_overlay_start_0:
0x88: {  	s2 =	sld [smem:$0x3FD9]  }
0x89: {  	s3 =	sld [smem:$0x3FFE];
	_ =	sdelay $0x1  }
0x8a: {  	s1 =	srdreg.scid  }
0x8b: {  	s0 =	sand.u32 $0x1, s1  }
0x8c: {  	s17 =	sshll.u32 s0, $0xA;
	s2 =	sadd.s32 s3, s2  }
0x8d: {  	s2 =	sadd.s32 s2, s17  }
0x8e: {  	[smem:$0x3FBF] =	sst s2  }
0x8f: {  	_ = 	snop  }
0x90: {  	s2 =	sld [smem:$0x3FD0];
	(tm) =	ssettm $0x1  }
0x91: {  	s18 =	sld [smem:$0x3FFB];
	_ =	sdelay $0x3  }
0x92: {  	_ =	strace s18  }
0x93: {  	s3 =	sld [smem:$0x3FFC];
	_ =	sdelay $0x3  }
0x94: {  	_ =	strace s3  }
0x95: {  	s3 =	sld [smem:$0x3FFD];
	_ =	sdelay $0x3  }
0x96: {  	_ =	strace s3  }
0x97: {  	_ =	strace $0x8FFFFFFF  }
0x98: {  	s19 =	sld [smem:$0x3FDB];
	_ =	sdelay $0x1  }
0x99: {  	s4 =	simm.s32 $_scs_section_size  }
0x9a: {  	s5 =	simm.s32 $_size__tile_overlayer_lowered;
	s6 =	simm.s32 $_tile_overlayer_lowered  }
0x9b: {  	s22 =	simm.s32 $0x1BFF;
	s21 =	sshll.u32 s6, $0x1;
	s3 =	sadd.s32 s4, s19  }
0x9c: {  	s7 =	simm.s32 $0x0;
	s20 =	sshll.u32 s5, $0x1;
	s5 =	sadd.s32 s21, s3  }
0x9d: {  	[timem:s7], [sflag:s22] =	dma.local [hbm:s5], s20  }
0x9e: {  	_ =	swait.ge [sflag:s22], s20  }
0x9f: {  	s4 =	ssub.s32 $0x0, s20;
	[sflag:s22] =	ssyncset.done $0x0  }
0xa0: {  	[sflag:s22] =	ssyncadd.s32 s4;
	_ =	sdelay $0x1  }
0xa1: {  	s23 =	simm.s32 $0x1B8B  }
0xa2: {  	_ =	swait.ge [sflag:s23], $0x1  }
0xa3: {  	[sflag:s23] =	ssyncset.done $0x0  }
0xa4: {  	s25 =	simm.s32 $0x1B8E;
	s24 =	sld [smem:$0x3FFE];
	[sflag:s23] =	ssyncadd.s32 $0xFFFFFFFF  }
0xa5: {  	s26 =	simm.s32 $execute0_lowered;
	[smem:$0x3FD2] =	sst s25  }
0xa6: {  	s5 =	sshll.u32 s26, $0x1;
	_ =	strace $0x80000046;
	[dreg:$0x1] =	wrdreg $0xFFFFFFFF  }
0xa7: {  	s28 =	simm.s32 $_size_execute0_lowered;
	s3 =	sadd.s32 s3, s5;
	[dreg:$0x0] =	wrdreg $0x0  }
0xa8: {  	s5 =	sshll.u32 s28, $0x1;
	[dreg:$0x2] =	wrdreg s3  }
0xa9: {  	[dreg:$0x3] =	wrdreg s5  }
0xaa: {  	[dreg:$0x4] =	wrdreg $0xC0  }
0xab: {  	_ =	task [dreg:s7], $0x5FFFF  }
0xac: {  	[dreg:$0x1] =	wrdreg $0xFFFFFFFF  }
0xad: {  	[dreg:$0x0] =	wrdreg $0x60  }
0xae: {  	[dreg:$0x2] =	wrdreg s24  }
0xaf: {  	[dreg:$0x3] =	wrdreg s2  }
0xb0: {  	[dreg:$0x4] =	wrdreg $0x150000  }
0xb1: {  	[dreg:$0x5] =	wrdreg $0x9  }
0xb2: {  	_ =	task.clear_ibuf [dreg:s7], $0x6FFFF;
	_ =	strace $0x90000046  }
0xb3: {  	s29 =	simm.s32 $0x9;
	_ =	strace $0x80000048  }
0xb4: {  	_ =	swait.ge [sflag:s29], $0x1  }
0xb5: {  	[sflag:s29] =	ssyncadd.s32 $0xFFFFFFFF  }
0xb6: {  	_ =	strace $0x90000048  }
0xb7: {  	_ =	sfence  }
0xb8: {  	s30 =	sld [smem:$0x0];
	_ =	sdelay $0x2  }
0xb9: {  	s31 =	sshll.u32 s1, $0xD;
	s1 =	sshrl.u32 s1, $0x2  }
0xba: {  	s3 =	sand.u32 $0x4000, s31;
	s1 =	sadd.s32 s1, s30  }
0xbb: {  	s0 =	sor.u32 s3, s0;
	s1 =	sshll.u32 s1, $0x11  }
0xbc: {  	s0 =	sor.u32 s1, s0  }
0xbd: {  	s0 =	sadd.s32 $0x8F2B, s0  }
0xbe: {  	[sflag:s0] =	ssyncadd.remote.s32 $0x1  }
0xbf: {  	_ =	sfence.sel $0xFFFF  }
0xc0: {  	[dreg:$0x0] =	wrdreg $0xFFFFFFFF;
	(pc) =	sbr.abs _section_cstart, $3  }
0xc1: {  	[dreg:$0x1] =	wrdreg $0xFFFFFFFF  }
0xc2: {  	_ =	task.clear_ibuf [dreg:s7], $0x2FFFF;
	_ =	strace $0x9FFFFFFF  }
0xc3: {  	(tm) =	ssettm $0x7FFFFFFF  }
tec
execute0_lowered:
.L_overlay_start_1:
0x0: {  	(tag) =	ssettag $0x1  }
0x1: {  	s0 =	rddreg [dreg:$0x0]  }
0x2: {  	s2 =	rddreg [dreg:$0x1]  }
0x3: {  	s1 =	rddreg [dreg:$0x2]  }
0x4: {  	s3 =	srdreg.scid;
	s5 =	simm.s32 $0x0;
	s10 =	stileid.u32  }
0x5: {  	s15 =	simm.s32 $0x1;
	s16 =	simm.s32 $0x2;
	s17 =	simm.s32 $0x3  }
0x6: {  	s29 =	simm.s32 $0xF000;
	s31 =	simm.s32 $0x11000;
	s14 =	simm.s32 $0x13000  }
0x7: {  	s28 =	simm.s32 $0x8;
	s30 =	simm.s32 $0x9;
	s11 =	simm.s32 $0x10  }
0x8: {  	s12 =	simm.s32 $0x0;
	s3 =	sand.u32 $0x1, s3;
	s7 =	smul.u32 $0x1400, s10  }
0x9: {  	[smem:$0x7FF] =	sst s5;
	s9 =	smul.u32 $0x28000, s10;
	s22 =	sshll.u32 s10, $0x6  }
0xa: {  	p0 =	seq.s32 s10, $0xF;
	s4 =	sshll.u32 s3, $0x4;
	s20 =	smul.u32 $0x138800, s3  }
0xb: {  	_ =	strace $0x80000047;
	s6 =	ssub.s32 $0x2, s3;
	s3 =	smul.u32 $0x13880, s3  }
0xc: {  	s4 =	sor.u32 s10, s4;
	s8 =	sshrl.u32 s6, $0x1;
	s21 =	sshrl.u32 s9, $0x2  }
0xd: {  	s9 =	sor.u32 $0x1C01, s22;
	s22 =	simm.s32 $0x9000;
	s10 =	simm.s32 $0xF  }
0xe: {  	s18 =	smul.u32 $0x500, s4;
	s4 =	sadd.s32 $0x15000, s0;
	s19 =	ssub.s32 s6, s8  }
0xf: {  	s6 =	sadd.s32 s21, s1;
	[dreg:$0x6] =	wrdreg s9;
	s8 =	sshrl.u32 s20, $0x4  }
0x10: {  	s3 =	sadd.s32 s7, s3;
	s20 =	simm.s32 $0x7000;
	s21 =	simm.s32 $0x5  }
0x11: {  	s7 =	simm.s32 $0xC;
	s9 =	simm.s32 $0xE;
	s24 =	sadd.s32 s2, s8  }
0x12: {  	s2 =	sadd.s32 s2, s3;
	[dreg:$0x5] =	wrdreg s6;
	s26 =	sshrl.u32 s6, $0x3  }
0x13: {  	s8 =	simm.s32 $0xD;
	s5 =	sadd.s32 s18, s0;
	[dreg:$0x9] =	wrdreg s2  }
0x14: {  	s0 =	sadd.s32 $0x28A00, s0;
	s25 =	sadd.s32 $0x12C00, s24;
	[dreg:$0xc] =	wrdreg s26  }
0x15: {  	s18 =	simm.s32 $0x80;
	s24 =	simm.s32 $0xB000;
	[dreg:$0x4] =	wrdreg s0  }
.Ltmp0:
0x16: {  	s23 =	sadd.s32 $0xB000, s5;
	[dreg:$0xa] =	wrdreg s25;
	(pc) =	sbr.rel .LBB2_1-.Ltmp0, $4  }
0x17: {  	s26 =	simm.s32 $0xD000;
	s5 =	sadd.s32 $0x1000, s5;
	[dreg:$0x7] =	wrdreg s23  }
0x18: {  	s2 =	simm.s32 $0x4;
	s0 =	smax.u32 s19, $0x1;
	[dreg:$0x8] =	wrdreg s5  }
0x19: {  	s19 =	simm.s32 $0x5000;
	s25 =	simm.s32 $0x7;
	[dreg:$0xb] =	wrdreg s0  }
0x1a: {  	s23 =	simm.s32 $0x6;
	s0 =	simm.s32 $0xA;
	s5 =	simm.s32 $0xB  }
.LBB2_4:
0x1b: {  	_ =	swait.ge [sflag:s0], $0x2000  }
0x1c: {  	[sflag:s0] =	ssyncset.done $0x0  }
0x1d: {  	[sflag:s0] =	ssyncadd.s32 $0xFFFFE000  }
0x1e: {  	_ =	swait.ge [sflag:s5], $0x2000  }
0x1f: {  	[sflag:s5] =	ssyncset.done $0x0  }
0x20: {  	[sflag:s5] =	ssyncadd.s32 $0xFFFFE000  }
0x21: {  	_ =	swait.ge [sflag:s7], $0x2000  }
0x22: {  	[sflag:s7] =	ssyncset.done $0x0  }
0x23: {  	[sflag:s7] =	ssyncadd.s32 $0xFFFFE000  }
0x24: {  	_ =	swait.ge [sflag:s8], $0x2000  }
0x25: {  	[sflag:s8] =	ssyncset.done $0x0  }
0x26: {  	[sflag:s8] =	ssyncadd.s32 $0xFFFFE000  }
0x27: {  	_ =	swait.ge [sflag:s9], $0x2000  }
0x28: {  	[sflag:s9] =	ssyncset.done $0x0  }
0x29: {  	[sflag:s9] =	ssyncadd.s32 $0xFFFFE000  }
0x2a: {  	_ =	swait.ge [sflag:s10], $0x2000  }
0x2b: {  	[sflag:s10] =	ssyncset.done $0x0  }
0x2c: {  	[sflag:s10] =	ssyncadd.s32 $0xFFFFE000  }
0x2d: {  	_ =	swait.ge [sflag:s11], $0x2000  }
0x2e: {  	[sflag:s11] =	ssyncset.done $0x0  }
0x2f: {  	[sflag:s11] =	ssyncadd.s32 $0xFFFFE000  }
0x30: {  	[bflag:$0x0] =	sbarrier.arrive $0xFFFF  }
0x31: {  	s13 =	rddreg [dreg:$0x5]  }
0x32: {  	s6 =	simm.s32 @p0 $0x1FD1;
	s12 =	rddreg [dreg:$0xa];
	s3 =	sshrl.u32 @p0 s13, $0x3  }
0x33: {  	[hbm:s12], [sflag:s6] =	dma.local @p0 [spmem:s3], $0xC80  }
0x34: {  	s3 =	simm.s32 @p0 $0x11  }
0x35: {  	_ =	swait.ge @p0 [sflag:s3], $0xC80  }
0x36: {  	s6 =	stileid.u32;
	[sflag:s3] =	ssyncset.done @p0 $0x0  }
0x37: {  	s6 =	sshll.u32 @!p0 s6, $0x6;
	[sflag:s3] =	ssyncadd.s32 @p0 $0xFFFFF380  }
0x38: {  	s3 =	sor.u32 @!p0 $0x1C11, s6;
	s6 =	sshrl.u32 @!p0 s13, $0x3;
	s13 =	rddreg [dreg:$0x9]  }
0x39: {  	[hbm:s13], [sflag:s3] =	dma.local @!p0 [spmem:s6], $0x1400  }
0x3a: {  	s3 =	simm.s32 @!p0 $0x11  }
0x3b: {  	_ =	swait.ge @!p0 [sflag:s3], $0x1400  }
0x3c: {  	s6 =	rddreg [dreg:$0xd]  }
0x3d: {  	s13 =	rddreg [dreg:$0xb];
	s12 =	sadd.s32 $0x1, s6  }
0x3e: {  	p1 =	sne.s32 s12, s13  }
.Ltmp1:
0x3f: {  	_ = 	snop;
	(pc) =	sbr.rel @!p1 .LBB2_5-.Ltmp1, $3  }
0x40: {  	_ =	sdelay $0x1  }
0x41: {  	[sflag:s3] =	ssyncset.done @!p0 $0x0  }
0x42: {  	[sflag:s3] =	ssyncadd.s32 @!p0 $0xFFFFEC00  }
.LBB2_1:
0x43: {  	[dreg:$0xd] =	wrdreg s12  }
0x44: {  	s3 =	rddreg [dreg:$0x4]  }
0x45: {  	s6 =	rddreg [dreg:$0x6]  }
0x46: {  	s13 =	rddreg [dreg:$0xc]  }
0x47: {  	[spmem:s13], [sflag:s6] =	dma.local [hbm:s3], $0x1400  }
0x48: {  	s3 =	simm.s32 $0x0;
	s6 =	rddreg [dreg:$0x7]  }
0x49: {  	[tilespmem:s3], [sflag:$0x2] =	stream.linear.gather [hbm4b:s6+s3], $0x2800, $0x38;
	[tilespmem:$0x1F000] =	vst v63  }
0x4a: {  	s13 =	simm.s32 $0x2800;
	s12 =	rddreg [dreg:$0x8]  }
0x4b: {  	[tilespmem:s13], [sflag:$0x3] =	stream.linear.gather [hbm4b:s12+s3], $0x2800, $0x38;
	[tilespmem:$0x1F000] =	vst v63  }
0x4c: {  	_ =	swait.ge [sflag:s15], $0x1400  }
0x4d: {  	[sflag:s15] =	ssyncset.done $0x0  }
0x4e: {  	[sflag:s15] =	ssyncadd.s32 $0xFFFFEC00  }
0x4f: {  	_ =	swait.ge [sflag:s16], $0x2800  }
0x50: {  	[sflag:s16] =	ssyncset.done $0x0  }
0x51: {  	[sflag:s16] =	ssyncadd.s32 $0xFFFFD800  }
0x52: {  	_ =	swait.ge [sflag:s17], $0x2800  }
0x53: {  	[sflag:s17] =	ssyncset.done $0x0  }
0x54: {  	[sflag:s17] =	ssyncadd.s32 $0xFFFFD800  }
0x55: {  	[bflag:$0x0] =	sbarrier.arrive $0xFFFF  }
0x56: {  	[tilespmem:s19], [sflag:$0x1] =	stream.indirect.gather [hbm4b:s4+s18], $0x40, s3, s18, $0xb8;
	[tilespmem:$0x1F000] =	vst v63  }
0x57: {  	_ = 	snop  }
0x58: {  	[tilespmem:s20], [sflag:$0x2] =	stream.indirect.gather [hbm4b:s4+s18], $0x40, s18, s18, $0xb8;
	[tilespmem:$0x1F000] =	vst v63  }
0x59: {  	s6 =	simm.s32 $0x100  }
0x5a: {  	[tilespmem:s22], [sflag:$0x3] =	stream.indirect.gather [hbm4b:s4+s18], $0x40, s6, s18, $0xb8;
	[tilespmem:$0x1F000] =	vst v63  }
0x5b: {  	s12 =	simm.s32 $0x180  }
0x5c: {  	[tilespmem:s24], [sflag:$0x4] =	stream.indirect.gather [hbm4b:s4+s18], $0x40, s12, s18, $0xb8;
	[tilespmem:$0x1F000] =	vst v63  }
0x5d: {  	s13 =	simm.s32 $0x200  }
0x5e: {  	[tilespmem:s26], [sflag:$0x5] =	stream.indirect.gather [hbm4b:s4+s18], $0x40, s13, s18, $0xb8;
	[tilespmem:$0x1F000] =	vst v63  }
0x5f: {  	s6 =	simm.s32 $0x280  }
0x60: {  	[tilespmem:s29], [sflag:$0x6] =	stream.indirect.gather [hbm4b:s4+s18], $0x40, s6, s18, $0xb8;
	[tilespmem:$0x1F000] =	vst v63  }
0x61: {  	s12 =	simm.s32 $0x300  }
0x62: {  	[tilespmem:s31], [sflag:$0x7] =	stream.indirect.gather [hbm4b:s4+s18], $0x40, s12, s18, $0xb8;
	[tilespmem:$0x1F000] =	vst v63  }
0x63: {  	s13 =	simm.s32 $0x380  }
0x64: {  	[tilespmem:s14], [sflag:$0x8] =	stream.indirect.gather [hbm4b:s4+s18], $0x40, s13, s18, $0xb8;
	[tilespmem:$0x1F000] =	vst v63  }
0x65: {  	s13 =	simm.s32 $0x0  }
.LBB2_2:
0x66: {  	_ =	swait.ge [sflag:s15], $0x2000  }
0x67: {  	s3 =	sshra.s32 s13, $0x2;
	[sflag:s15] =	ssyncset.done $0x0  }
0x68: {  	s6 =	sadd.s32 $0x2800, s3;
	[sflag:s15] =	ssyncadd.s32 $0xFFFFE000  }
0x69: {  	[spmem:s1] =	stream.indirect.scatter.add.s16 [tilespmem:s19], [sflag:$0x9], $0x40, s6, s18, $0xb8;
	[tilespmem:$0x1F000] =	vst v63  }
0x6a: {  	_ =	swait.ge [sflag:s16], $0x2000  }
0x6b: {  	[sflag:s16] =	ssyncset.done $0x0  }
0x6c: {  	s12 =	sadd.s32 $0x2880, s3;
	[sflag:s16] =	ssyncadd.s32 $0xFFFFE000  }
0x6d: {  	[spmem:s1] =	stream.indirect.scatter.add.s16 [tilespmem:s20], [sflag:$0xA], $0x40, s12, s18, $0xb8;
	[tilespmem:$0x1F000] =	vst v63  }
0x6e: {  	_ =	swait.ge [sflag:s17], $0x2000  }
0x6f: {  	[sflag:s17] =	ssyncset.done $0x0  }
0x70: {  	s12 =	sadd.s32 $0x2900, s3;
	[sflag:s17] =	ssyncadd.s32 $0xFFFFE000  }
0x71: {  	[spmem:s1] =	stream.indirect.scatter.add.s16 [tilespmem:s22], [sflag:$0xB], $0x40, s12, s18, $0xb8;
	[tilespmem:$0x1F000] =	vst v63  }
0x72: {  	_ =	swait.ge [sflag:s2], $0x2000  }
0x73: {  	[sflag:s2] =	ssyncset.done $0x0  }
0x74: {  	s12 =	sadd.s32 $0x2980, s3;
	[sflag:s2] =	ssyncadd.s32 $0xFFFFE000  }
0x75: {  	[spmem:s1] =	stream.indirect.scatter.add.s16 [tilespmem:s24], [sflag:$0xC], $0x40, s12, s18, $0xb8;
	[tilespmem:$0x1F000] =	vst v63  }
0x76: {  	_ =	swait.ge [sflag:s21], $0x2000  }
0x77: {  	[sflag:s21] =	ssyncset.done $0x0  }
0x78: {  	s12 =	sadd.s32 $0x2A00, s3;
	[sflag:s21] =	ssyncadd.s32 $0xFFFFE000  }
0x79: {  	[spmem:s1] =	stream.indirect.scatter.add.s16 [tilespmem:s26], [sflag:$0xD], $0x40, s12, s18, $0xb8;
	[tilespmem:$0x1F000] =	vst v63  }
0x7a: {  	_ =	swait.ge [sflag:s23], $0x2000  }
0x7b: {  	[sflag:s23] =	ssyncset.done $0x0  }
0x7c: {  	s12 =	sadd.s32 $0x2A80, s3;
	[sflag:s23] =	ssyncadd.s32 $0xFFFFE000  }
0x7d: {  	[spmem:s1] =	stream.indirect.scatter.add.s16 [tilespmem:s29], [sflag:$0xE], $0x40, s12, s18, $0xb8;
	[tilespmem:$0x1F000] =	vst v63  }
0x7e: {  	_ =	swait.ge [sflag:s25], $0x2000  }
0x7f: {  	[sflag:s25] =	ssyncset.done $0x0  }
0x80: {  	s12 =	sadd.s32 $0x2B00, s3;
	[sflag:s25] =	ssyncadd.s32 $0xFFFFE000  }
0x81: {  	[spmem:s1] =	stream.indirect.scatter.add.s16 [tilespmem:s31], [sflag:$0xF], $0x40, s12, s18, $0xb8;
	[tilespmem:$0x1F000] =	vst v63  }
0x82: {  	_ =	swait.ge [sflag:s28], $0x2000  }
0x83: {  	p1 =	seq.s32 s13, $0x9000;
	[sflag:s28] =	ssyncset.done $0x0  }
.Ltmp2:
0x84: {  	s12 =	sadd.s32 $0x2B80, s3;
	[sflag:s28] =	ssyncadd.s32 $0xFFFFE000;
	(pc) =	sbr.rel @p1 .LBB2_4-.Ltmp2, $4  }
0x85: {  	[spmem:s1] =	stream.indirect.scatter.add.s16 [tilespmem:s14], [sflag:$0x10], $0x40, s12, s18, $0xb8;
	[tilespmem:$0x1F000] =	vst v63  }
0x86: {  	_ =	swait.ge [sflag:s30], $0x2000  }
0x87: {  	[sflag:s30] =	ssyncset.done $0x0  }
0x88: {  	[sflag:s30] =	ssyncadd.s32 $0xFFFFE000  }
0x89: {  	s6 =	sadd.s32 $0x400, s3  }
0x8a: {  	[tilespmem:s19], [sflag:$0x1] =	stream.indirect.gather [hbm4b:s4+s18], $0x40, s6, s18, $0xb8;
	[tilespmem:$0x1F000] =	vst v63  }
0x8b: {  	_ =	swait.ge [sflag:s0], $0x2000  }
0x8c: {  	[sflag:s0] =	ssyncset.done $0x0  }
0x8d: {  	s12 =	sadd.s32 $0x480, s3;
	[sflag:s0] =	ssyncadd.s32 $0xFFFFE000  }
0x8e: {  	[tilespmem:s20], [sflag:$0x2] =	stream.indirect.gather [hbm4b:s4+s18], $0x40, s12, s18, $0xb8;
	[tilespmem:$0x1F000] =	vst v63  }
0x8f: {  	_ =	swait.ge [sflag:s5], $0x2000  }
0x90: {  	[sflag:s5] =	ssyncset.done $0x0  }
0x91: {  	s12 =	sadd.s32 $0x500, s3;
	[sflag:s5] =	ssyncadd.s32 $0xFFFFE000  }
0x92: {  	[tilespmem:s22], [sflag:$0x3] =	stream.indirect.gather [hbm4b:s4+s18], $0x40, s12, s18, $0xb8;
	[tilespmem:$0x1F000] =	vst v63  }
0x93: {  	_ =	swait.ge [sflag:s7], $0x2000  }
0x94: {  	[sflag:s7] =	ssyncset.done $0x0  }
0x95: {  	s12 =	sadd.s32 $0x580, s3;
	[sflag:s7] =	ssyncadd.s32 $0xFFFFE000  }
0x96: {  	[tilespmem:s24], [sflag:$0x4] =	stream.indirect.gather [hbm4b:s4+s18], $0x40, s12, s18, $0xb8;
	[tilespmem:$0x1F000] =	vst v63  }
0x97: {  	_ =	swait.ge [sflag:s8], $0x2000  }
0x98: {  	[sflag:s8] =	ssyncset.done $0x0  }
0x99: {  	s12 =	sadd.s32 $0x600, s3;
	[sflag:s8] =	ssyncadd.s32 $0xFFFFE000  }
0x9a: {  	[tilespmem:s26], [sflag:$0x5] =	stream.indirect.gather [hbm4b:s4+s18], $0x40, s12, s18, $0xb8;
	[tilespmem:$0x1F000] =	vst v63  }
0x9b: {  	_ =	swait.ge [sflag:s9], $0x2000  }
0x9c: {  	[sflag:s9] =	ssyncset.done $0x0  }
0x9d: {  	s12 =	sadd.s32 $0x680, s3;
	[sflag:s9] =	ssyncadd.s32 $0xFFFFE000  }
0x9e: {  	[tilespmem:s29], [sflag:$0x6] =	stream.indirect.gather [hbm4b:s4+s18], $0x40, s12, s18, $0xb8;
	[tilespmem:$0x1F000] =	vst v63  }
0x9f: {  	_ =	swait.ge [sflag:s10], $0x2000  }
0xa0: {  	[sflag:s10] =	ssyncset.done $0x0  }
0xa1: {  	s12 =	sadd.s32 $0x700, s3;
	[sflag:s10] =	ssyncadd.s32 $0xFFFFE000  }
0xa2: {  	[tilespmem:s31], [sflag:$0x7] =	stream.indirect.gather [hbm4b:s4+s18], $0x40, s12, s18, $0xb8;
	[tilespmem:$0x1F000] =	vst v63  }
.Ltmp3:
0xa3: {  	_ = 	snop;
	(pc) =	sbr.rel .LBB2_2-.Ltmp3, $4  }
0xa4: {  	_ =	swait.ge [sflag:s11], $0x2000  }
0xa5: {  	[sflag:s11] =	ssyncset.done $0x0  }
0xa6: {  	s13 =	sadd.s32 $0x1000, s13;
	s12 =	sadd.s32 $0x780, s3;
	[sflag:s11] =	ssyncadd.s32 $0xFFFFE000  }
0xa7: {  	[tilespmem:s14], [sflag:$0x8] =	stream.indirect.gather [hbm4b:s4+s18], $0x40, s12, s18, $0xb8;
	[tilespmem:$0x1F000] =	vst v63  }
.LBB2_5:
0xa8: {  	_ =	sfence.sel $0x180000  }
0xa9: {  	[bflag:$0x0] =	sbarrier.arrive $0xFFFF  }
0xaa: {  	_ =	strace $0x90000047  }
0xab: {  	s0 =	stileid.u32;
	[bflag:$0x2] =	sbarrier.arrive $0xFFFF  }
0xac: {  	p0 =	sne.s32 s0, $0x0;
	s0 =	rddreg [dreg:$0x3]  }
0xad: {  	s0 =	sadd.s32 @!p0 $0x100000, s0  }
0xae: {  	[sflag:s0] =	ssyncadd.tile.s32 @!p0 $0x1;
	_ =	shalt  }
.Lfunc_end2:
_tile_overlayer_lowered:
.L_overlay_start_2:
0xaf: {  	(tag) =	ssettag $0x2  }
0xb0: {  	s0 =	rddreg [dreg:$0x0];
	s2 =	stileid.u32  }
0xb1: {  	s1 =	rddreg [dreg:$0x1];
	p0 =	sne.s32 s2, $0x0  }
0xb2: {  	s3 =	rddreg [dreg:$0x2];
	[bflag:$0x3] =	sbarrier.arrive $0xFFFF;
	s2 =	simm.s32 @!p0 $0x1C11  }
0xb3: {  	[timem:s3], [sflag:s2] =	dma.local @!p0 [hbm:s0], s1  }
0xb4: {  	s0 =	simm.s32 @!p0 $0x11  }
0xb5: {  	_ =	swait.ge @!p0 [sflag:s0], s1  }
0xb6: {  	s1 =	ssub.s32 @!p0 $0x0, s1;
	[sflag:s0] =	ssyncset.done @!p0 $0x0  }
0xb7: {  	[sflag:s0] =	ssyncadd.s32 @!p0 s1  }
0xb8: {  	[bflag:$0x3] =	sbarrier.arrive $0xFFFF  }
0xb9: {  	_ =	shalt  }

</sc_bundles>
